<compile_context>
chip_gen: v7x
topology: tpu7x:2x2x1
jax: 0.10.2.dev20260603
libtpu: 0.0.44.dev20260713+nightly
codegen_flags: <defaults>
</compile_context>

<pallas_src>
import functools

import jax
import jax.numpy as jnp
from jax import lax
from jax.experimental import pallas as pl
from jax.experimental.pallas import tpu as pltpu
from jax.experimental.pallas import tpu_sc as plsc

N_NODES = 10000
N_EDGES = 320000
D = 128
N_GRAPHS = 64

NC = 2
NS = 16
NW = NC * NS

NP = 10240
EC = 128
EPW = 10240
EP = EPW * NW
NCHUNK = EPW // EC
NODES_PW = NP // NW

FH = D // NC
EPS = EP // NS
NCHUNK_B = EPS // EC
NPH = 2
EPP = EPS // NPH
CPP = NCHUNK_B // NPH
NROWS_S = NP // NS

@functools.cache
def _sc_mesh():
    return plsc.VectorSubcoreMesh(core_axis_name="c", subcore_axis_name="s",
                                  num_cores=NC, num_subcores=NS)


def _scatter_body(xs_hbm, src_hbm, dw_hbm, zeros_hbm, agg_hbm,
                  sidx, rows0, rows1, dw0, dw1, sh,
                  sem_r0, sem_r1, sem_i0, sem_i1, sem_s0, sem_s1):
    c = lax.axis_index("c")
    s = lax.axis_index("s")
    ebase = s * EPS
    gbase = s * NCHUNK_B

    rsl = pl.ds(s * NROWS_S, NROWS_S)
    asl = pl.ds(NP + s * NROWS_S, NROWS_S)
    pltpu.sync_copy(xs_hbm.at[c].at[rsl], sh.at[rsl])
    pltpu.sync_copy(zeros_hbm.at[rsl], sh.at[asl])
    plsc.subcore_barrier()

    def scale(rows, dw):
        @functools.partial(plsc.parallel_loop, 0, EC // 16, unroll=2)
        def grp(gidx):
            wv = plsc.bitcast(dw[1, pl.ds(gidx * 16, 16)], jnp.float32)
            for i in range(16):
                e = gidx * 16 + i
                we = wv[i]
                for j in range(FH // 16):
                    sl = pl.ds(j * 16, 16)
                    rows[e, sl] = rows[e, sl] * we

    for ph in range(NPH):
        pltpu.sync_copy(src_hbm.at[pl.ds(ebase + ph * EPP, EPP)], sidx)
        pbase = gbase + ph * CPP
        pltpu.async_copy(sh.at[sidx.at[pl.ds(0, EC)]], rows0, sem_r0)
        pltpu.async_copy(dw_hbm.at[pbase], dw0, sem_i0)

        def pair(m, _):
            k0 = m * 2

            @pl.when(m > 0)
            def _():
                pltpu.make_async_copy(rows1, sh.at[dw1.at[0]],
                                      sem_s1).wait()

            pltpu.async_copy(sh.at[sidx.at[pl.ds((k0 + 1) * EC, EC)]],
                             rows1, sem_r1)
            pltpu.async_copy(dw_hbm.at[pbase + k0 + 1], dw1, sem_i1)

            pltpu.make_async_copy(sh.at[sidx.at[pl.ds(0, EC)]],
                                  rows0, sem_r0).wait()
            pltpu.make_async_copy(dw_hbm.at[pbase], dw0, sem_i0).wait()
            scale(rows0, dw0)
            pltpu.async_copy(rows0, sh.at[dw0.at[0]], sem_s0, add=True)

            @pl.when(k0 + 2 < CPP)
            def _():
                pltpu.make_async_copy(rows0, sh.at[dw0.at[0]],
                                      sem_s0).wait()
                pltpu.async_copy(sh.at[sidx.at[pl.ds((k0 + 2) * EC, EC)]],
                                 rows0, sem_r0)
                pltpu.async_copy(dw_hbm.at[pbase + k0 + 2], dw0, sem_i0)

            pltpu.make_async_copy(sh.at[sidx.at[pl.ds(0, EC)]],
                                  rows1, sem_r1).wait()
            pltpu.make_async_copy(dw_hbm.at[pbase], dw1, sem_i1).wait()
            scale(rows1, dw1)
            pltpu.async_copy(rows1, sh.at[dw1.at[0]], sem_s1, add=True)
            return ()

        lax.fori_loop(0, CPP // 2, pair, ())
        pltpu.make_async_copy(rows0, sh.at[dw0.at[0]], sem_s0).wait()
        pltpu.make_async_copy(rows1, sh.at[dw1.at[0]], sem_s1).wait()

    plsc.subcore_barrier()
    pltpu.sync_copy(sh.at[asl], agg_hbm.at[c].at[rsl])


def _scatter_B(xsplit, src, dw, zeros_np):
    return pl.kernel(
        _scatter_body,
        out_type=jax.ShapeDtypeStruct((NC, NP, FH), jnp.float32),
        mesh=_sc_mesh(),
        compiler_params=pltpu.CompilerParams(needs_layout_passes=False,
                                             use_tc_tiling_on_sc=False),
        scratch_types=[
            pltpu.VMEM((EPP,), jnp.int32),
            pltpu.VMEM((EC, FH), jnp.float32),
            pltpu.VMEM((EC, FH), jnp.float32),
            pltpu.VMEM((2, EC), jnp.int32),
            pltpu.VMEM((2, EC), jnp.int32),
            pltpu.VMEM_SHARED((2 * NP, FH), jnp.float32),
            pltpu.SemaphoreType.DMA,
            pltpu.SemaphoreType.DMA,
            pltpu.SemaphoreType.DMA,
            pltpu.SemaphoreType.DMA,
            pltpu.SemaphoreType.DMA,
            pltpu.SemaphoreType.DMA,
        ],
    )(xsplit, src, dw, zeros_np)


def _relu_body(agg_ref, x_ref, w1_ref, b1_ref, w3_ref, w2_ref, w4_ref,
               wl_ref, ab_ref):
    dn_tt = (((1,), (1,)), ((), ()))
    dn_nt = (((1,), (0,)), ((), ()))
    agg = jnp.concatenate([agg_ref[0], agg_ref[1]], axis=1)
    t1 = lax.dot_general(agg, w1_ref[...], dn_tt,
                         preferred_element_type=jnp.float32)
    t2 = lax.dot_general(x_ref[...], w3_ref[...], dn_tt,
                         preferred_element_type=jnp.float32)
    h1 = jnp.maximum(t1 + b1_ref[...] + t2, 0.0)
    hp = lax.Precision.HIGHEST
    u = lax.dot_general(wl_ref[...], w2_ref[...], dn_nt,
                        preferred_element_type=jnp.float32, precision=hp)
    v = lax.dot_general(wl_ref[...], w4_ref[...], dn_nt,
                        preferred_element_type=jnp.float32, precision=hp)
    uv = jnp.concatenate([u, v], axis=0)
    ab_ref[...] = lax.dot_general(uv, h1, dn_tt,
                                  preferred_element_type=jnp.float32,
                                  precision=hp)


def _relu_C(agg, x, Wrel1, brel1, Wroot1, Wrel2, Wroot2, Wlin):
    nblk = NP // 1024
    return pl.pallas_call(
        _relu_body,
        grid=(nblk,),
        in_specs=[
            pl.BlockSpec((NC, 1024, FH), lambda i: (0, i, 0)),
            pl.BlockSpec((1024, D), lambda i: (i, 0)),
            pl.BlockSpec((D, D), lambda i: (0, 0)),
            pl.BlockSpec((D,), lambda i: (0,)),
            pl.BlockSpec((D, D), lambda i: (0, 0)),
            pl.BlockSpec((D, D), lambda i: (0, 0)),
            pl.BlockSpec((D, D), lambda i: (0, 0)),
            pl.BlockSpec((1, D), lambda i: (0, 0)),
        ],
        out_specs=pl.BlockSpec((2, 1024), lambda i: (0, i)),
        out_shape=jax.ShapeDtypeStruct((2, NP), jnp.float32),
    )(agg, x, Wrel1, brel1, Wroot1, Wrel2, Wroot2, Wlin)


_DEC = 1024
_DGROUPS = _DEC // 16
_DNCHUNK = EPW // _DEC


def _pool_body(a_hbm, b_hbm, vld_hbm, gb_hbm, src_hbm, dst_hbm, w_hbm,
               s_hbm, c_hbm,
               a_v, gb_v, bch, vch, sbuf, dbuf, wbuf, sacc, cacc, lanes_v):
    c = lax.axis_index("c")
    s = lax.axis_index("s")
    wid = s * NC + c

    pltpu.sync_copy(a_hbm, a_v)
    pltpu.sync_copy(gb_hbm, gb_v)
    nbase = wid * NODES_PW
    pltpu.sync_copy(b_hbm.at[pl.ds(nbase, NODES_PW)], bch)
    pltpu.sync_copy(vld_hbm.at[pl.ds(nbase, NODES_PW)], vch)

    zf = jnp.zeros((16,), jnp.float32)
    for g in range(N_GRAPHS):
        sacc[g, :] = zf
        cacc[g, :] = zf
    lanes_v[:] = lax.iota(jnp.int32, 16)
    lanes = lanes_v[:]

    def node_grp(g, _):
        sl = pl.ds(g * 16, 16)
        gv = plsc.load_gather(gb_v, [jnp.full((16,), nbase, jnp.int32)
                                     + jnp.int32(g * 16) + lanes])
        bv = bch[sl] * vch[sl]
        plsc.addupdate_scatter(sacc, [gv, lanes], bv)
        plsc.addupdate_scatter(cacc, [gv, lanes], vch[sl])
        return ()

    lax.fori_loop(0, NODES_PW // 16, node_grp, ())

    def chunk(k, _):
        base = wid * EPW + k * _DEC
        pltpu.sync_copy(src_hbm.at[pl.ds(base, _DEC)], sbuf)
        pltpu.sync_copy(dst_hbm.at[pl.ds(base, _DEC)], dbuf)
        pltpu.sync_copy(w_hbm.at[pl.ds(base, _DEC)], wbuf)

        def grp(g, _):
            sl = pl.ds(g * 16, 16)
            av = plsc.load_gather(a_v, [sbuf[sl]])
            gv = plsc.load_gather(gb_v, [dbuf[sl]])
            plsc.addupdate_scatter(sacc, [gv, lanes], wbuf[sl] * av)
            return ()

        lax.fori_loop(0, _DGROUPS, grp, (), unroll=2)
        return ()

    lax.fori_loop(0, _DNCHUNK, chunk, ())

    pltpu.sync_copy(sacc, s_hbm.at[wid])
    pltpu.sync_copy(cacc, c_hbm.at[wid])


def _pool_D(a, b, vld, gb, src, dst, w):
    return pl.kernel(
        _pool_body,
        out_type=[
            jax.ShapeDtypeStruct((NW, N_GRAPHS, 16), jnp.float32),
            jax.ShapeDtypeStruct((NW, N_GRAPHS, 16), jnp.float32),
        ],
        mesh=_sc_mesh(),
        compiler_params=pltpu.CompilerParams(needs_layout_passes=False),
        scratch_types=[
            pltpu.VMEM((NP,), jnp.float32),
            pltpu.VMEM((NP,), jnp.int32),
            pltpu.VMEM((NODES_PW,), jnp.float32),
            pltpu.VMEM((NODES_PW,), jnp.float32),
            pltpu.VMEM((_DEC,), jnp.int32),
            pltpu.VMEM((_DEC,), jnp.int32),
            pltpu.VMEM((_DEC,), jnp.float32),
            pltpu.VMEM((N_GRAPHS, 16), jnp.float32),
            pltpu.VMEM((N_GRAPHS, 16), jnp.float32),
            pltpu.VMEM((16,), jnp.int32),
        ],
    )(a, b, vld, gb, src, dst, w)


def _final_body(s_ref, c_ref, b2_ref, wl_ref, bl_ref, o_ref):
    S = jnp.sum(s_ref[...], axis=(0, 2))
    C = jnp.sum(c_ref[...], axis=(0, 2))
    k0 = jnp.sum(b2_ref[...] * wl_ref[...][0])
    res = jnp.where(C > 0.0, S / jnp.maximum(C, 1.0) + k0, 0.0) + bl_ref[0]
    o_ref[...] = res[None, :]


def _final_E(S, C, brel2, Wlin, blin):
    return pl.pallas_call(
        _final_body,
        out_shape=jax.ShapeDtypeStruct((1, N_GRAPHS), jnp.float32),
    )(S, C, brel2, Wlin, blin)


def kernel(x, edge_index, edge_weight, batch, Wrel1, brel1, Wroot1,
           Wrel2, brel2, Wroot2, Wlin, blin):
    src = edge_index[0].astype(jnp.int32)
    dst = edge_index[1].astype(jnp.int32)
    w = edge_weight.astype(jnp.float32)
    gb = batch.astype(jnp.int32)

    pad_e = EP - N_EDGES
    src = jnp.concatenate([src, jnp.zeros((pad_e,), jnp.int32)])
    dst = jnp.concatenate([dst, jnp.zeros((pad_e,), jnp.int32)])
    w = jnp.concatenate([w, jnp.zeros((pad_e,), jnp.float32)])

    pad_n = NP - N_NODES
    xp = jnp.concatenate([x, jnp.zeros((pad_n, D), jnp.float32)], axis=0)
    xsplit = xp.reshape(NP, NC, FH).transpose(1, 0, 2)
    gbp = jnp.concatenate([gb, jnp.zeros((pad_n,), jnp.int32)])
    vld = jnp.concatenate([jnp.ones((N_NODES,), jnp.float32),
                           jnp.zeros((pad_n,), jnp.float32)])
    zeros_np = jnp.zeros((NP, FH), jnp.float32)

    w_bits = lax.bitcast_convert_type(w, jnp.int32)
    dw = jnp.stack([dst.reshape(EP // EC, EC) + NP,
                    w_bits.reshape(EP // EC, EC)], axis=1)
    agg = _scatter_B(xsplit, src, dw, zeros_np)
    ab = _relu_C(agg, xp, Wrel1, brel1, Wroot1, Wrel2, Wroot2, Wlin)
    a = ab[0]
    b = ab[1]
    S, C = _pool_D(a, b, vld, gbp, src, dst, w)
    out = _final_E(S, C, brel2, Wlin, blin)
    return out.T

# --- scband reference (transcript-rebuilt; emitter-appended) ---
"""Pipeline reference for scband-gnn-65498251264428 (READ-ONLY COPY).

The authoritative reference and input builder live on the scoring server;
editing this copy changes nothing except your own understanding.
"""

import jax, jax.numpy as jnp
import numpy as np

N_NODES = 10000
N_EDGES = 320000
D_IN = 128
D_HID = 128
N_GRAPHS = 64


def setup_inputs(seed: int = 0) -> dict:
    key = jax.random.key(seed)
    ks = [jax.random.fold_in(key, i) for i in range(16)]
    x = jax.random.normal(ks[0], (N_NODES, D_IN), dtype=jnp.float32)
    edge_index = jax.random.randint(ks[1], (2, N_EDGES), 0, N_NODES, dtype=jnp.int64)
    edge_weight = jax.random.uniform(ks[2], (N_EDGES,), dtype=jnp.float32)
    batch = jnp.sort(jax.random.randint(ks[3], (N_NODES,), 0, N_GRAPHS, dtype=jnp.int64))
    s1 = 1.0 / np.sqrt(D_IN)
    s2 = 1.0 / np.sqrt(D_HID)
    Wrel1 = jax.random.normal(ks[4], (D_HID, D_IN), dtype=jnp.float32) * s1
    brel1 = jnp.zeros((D_HID,), dtype=jnp.float32)
    Wroot1 = jax.random.normal(ks[5], (D_HID, D_IN), dtype=jnp.float32) * s1
    Wrel2 = jax.random.normal(ks[6], (D_HID, D_HID), dtype=jnp.float32) * s2
    brel2 = jnp.zeros((D_HID,), dtype=jnp.float32)
    Wroot2 = jax.random.normal(ks[7], (D_HID, D_HID), dtype=jnp.float32) * s2
    Wlin = jax.random.normal(ks[8], (1, D_HID), dtype=jnp.float32) * s2
    blin = jnp.zeros((1,), dtype=jnp.float32)
    return {"x": x, "edge_index": edge_index, "edge_weight": edge_weight, "batch": batch,
            "Wrel1": Wrel1, "brel1": brel1, "Wroot1": Wroot1,
            "Wrel2": Wrel2, "brel2": brel2, "Wroot2": Wroot2,
            "Wlin": Wlin, "blin": blin}


def _graph_conv(x, edge_index, edge_weight, Wrel, brel, Wroot):
    # PyG GraphConv: out_i = lin_rel(sum_{j->i} w_ji * x_j) + lin_root(x_i)
    src = edge_index[0]
    dst = edge_index[1]
    msg = jnp.take(x, src, axis=0) * edge_weight[:, None]
    agg = jax.ops.segment_sum(msg, dst, num_segments=N_NODES)
    return agg @ Wrel.T + brel + x @ Wroot.T


def reference(x, edge_index, edge_weight, batch, Wrel1, brel1, Wroot1, Wrel2, brel2, Wroot2, Wlin, blin):
    h = _graph_conv(x, edge_index, edge_weight, Wrel1, brel1, Wroot1)
    h = jax.nn.relu(h)
    h = _graph_conv(h, edge_index, edge_weight, Wrel2, brel2, Wroot2)
    # global_mean_pool over batch ids
    sums = jax.ops.segment_sum(h, batch, num_segments=N_GRAPHS)
    counts = jax.ops.segment_sum(jnp.ones((N_NODES,), dtype=jnp.float32), batch, num_segments=N_GRAPHS)
    pooled = sums / jnp.maximum(counts, 1.0)[:, None]
    # dropout is identity in eval mode
    out = pooled @ Wlin.T + blin
    return out

if __name__ == "__main__":
    import jax
    _d = setup_inputs()
    print(jax.jit(kernel)(*tuple(_d.values())))

</pallas_src>

<mosaic_0001>
#map = affine_map<(d0, d1) -> (0)>
#map1 = affine_map<(d0, d1) -> (0, 0, 0)>
module attributes {stable_mosaic.version = 14 : i64} {
  func.func @_pool_body(%arg0: i32, %arg1: i32, %arg2: memref<10240xf32, #tpu.memory_space<hbm>>, %arg3: memref<10240xf32, #tpu.memory_space<hbm>>, %arg4: memref<10240xf32, #tpu.memory_space<hbm>>, %arg5: memref<10240xi32, #tpu.memory_space<hbm>>, %arg6: memref<327680xi32, #tpu.memory_space<hbm>>, %arg7: memref<327680xi32, #tpu.memory_space<hbm>>, %arg8: memref<327680xf32, #tpu.memory_space<hbm>>, %arg9: memref<32x64x16xf32, #tpu.memory_space<hbm>>, %arg10: memref<32x64x16xf32, #tpu.memory_space<hbm>>, %arg11: memref<10240xf32, #tpu.memory_space<vmem>>, %arg12: memref<10240xi32, #tpu.memory_space<vmem>>, %arg13: memref<320xf32, #tpu.memory_space<vmem>>, %arg14: memref<320xf32, #tpu.memory_space<vmem>>, %arg15: memref<1024xi32, #tpu.memory_space<vmem>>, %arg16: memref<1024xi32, #tpu.memory_space<vmem>>, %arg17: memref<1024xf32, #tpu.memory_space<vmem>>, %arg18: memref<64x16xf32, #tpu.memory_space<vmem>>, %arg19: memref<64x16xf32, #tpu.memory_space<vmem>>, %arg20: memref<16xi32, #tpu.memory_space<vmem>>) attributes {dimension_semantics = [#tpu.dimension_semantics<core_parallel>, #tpu.dimension_semantics<subcore_parallel>], iteration_bounds = array<i64: 2, 16>, scalar_prefetch = 0 : i64, scratch_operands = 10 : i64, tpu.core_type = #tpu.core_type<sc_vector_subcore>, window_params = [{transform_indices = #map}, {transform_indices = #map}, {transform_indices = #map}, {transform_indices = #map}, {transform_indices = #map}, {transform_indices = #map}, {transform_indices = #map}, {transform_indices = #map1}, {transform_indices = #map1}]} {
    %mul3A = arith.constant 2 : i32
    %mul3A_0 = arith.muli %arg1, %mul3A : i32
    %add3A = arith.addi %mul3A_0, %arg0 : i32
    "tpu.region"() ({
      %run_scoped3A = tpu.sem_alloc : memref<!tpu.dma_semaphore, #tpu.memory_space<semaphore_mem>>
      tpu.enqueue_dma source(%arg2 : memref<10240xf32, #tpu.memory_space<hbm>>) target(%arg11 : memref<10240xf32, #tpu.memory_space<vmem>>) target_semaphore(%run_scoped3A : memref<!tpu.dma_semaphore, #tpu.memory_space<semaphore_mem>>)
      tpu.wait_dma2 semaphore(%run_scoped3A : memref<!tpu.dma_semaphore, #tpu.memory_space<semaphore_mem>>) src(%arg2 : memref<10240xf32, #tpu.memory_space<hbm>>) dst(%arg11 : memref<10240xf32, #tpu.memory_space<vmem>>)
      tpu.yield
    }) : () -> ()
    "tpu.region"() ({
      %run_scoped3A = tpu.sem_alloc : memref<!tpu.dma_semaphore, #tpu.memory_space<semaphore_mem>>
      tpu.enqueue_dma source(%arg5 : memref<10240xi32, #tpu.memory_space<hbm>>) target(%arg12 : memref<10240xi32, #tpu.memory_space<vmem>>) target_semaphore(%run_scoped3A : memref<!tpu.dma_semaphore, #tpu.memory_space<semaphore_mem>>)
      tpu.wait_dma2 semaphore(%run_scoped3A : memref<!tpu.dma_semaphore, #tpu.memory_space<semaphore_mem>>) src(%arg5 : memref<10240xi32, #tpu.memory_space<hbm>>) dst(%arg12 : memref<10240xi32, #tpu.memory_space<vmem>>)
      tpu.yield
    }) : () -> ()
    %mul3A_1 = arith.constant 320 : i32
    %mul3A_2 = arith.muli %add3A, %mul3A_1 : i32
    "tpu.region"() ({
      %run_scoped3A = tpu.sem_alloc : memref<!tpu.dma_semaphore, #tpu.memory_space<semaphore_mem>>
      %dma_start3A = tpu.memref_slice %arg3[%mul3A_2] : memref<10240xf32, #tpu.memory_space<hbm>> -> memref<320xf32, #tpu.memory_space<hbm>>
      %dma_start3A_527 = tpu.memref_slice %arg3[%mul3A_2] : memref<10240xf32, #tpu.memory_space<hbm>> -> memref<320xf32, #tpu.memory_space<hbm>>
      tpu.enqueue_dma source(%dma_start3A_527 : memref<320xf32, #tpu.memory_space<hbm>>) target(%arg13 : memref<320xf32, #tpu.memory_space<vmem>>) target_semaphore(%run_scoped3A : memref<!tpu.dma_semaphore, #tpu.memory_space<semaphore_mem>>)
      %dma_wait3A = tpu.memref_slice %arg3[%mul3A_2] : memref<10240xf32, #tpu.memory_space<hbm>> -> memref<320xf32, #tpu.memory_space<hbm>>
      %dma_wait3A_528 = tpu.memref_slice %arg3[%mul3A_2] : memref<10240xf32, #tpu.memory_space<hbm>> -> memref<320xf32, #tpu.memory_space<hbm>>
      tpu.wait_dma2 semaphore(%run_scoped3A : memref<!tpu.dma_semaphore, #tpu.memory_space<semaphore_mem>>) src(%dma_wait3A_528 : memref<320xf32, #tpu.memory_space<hbm>>) dst(%arg13 : memref<320xf32, #tpu.memory_space<vmem>>)
      tpu.yield
    }) : () -> ()
    "tpu.region"() ({
      %run_scoped3A = tpu.sem_alloc : memref<!tpu.dma_semaphore, #tpu.memory_space<semaphore_mem>>
      %dma_start3A = tpu.memref_slice %arg4[%mul3A_2] : memref<10240xf32, #tpu.memory_space<hbm>> -> memref<320xf32, #tpu.memory_space<hbm>>
      %dma_start3A_527 = tpu.memref_slice %arg4[%mul3A_2] : memref<10240xf32, #tpu.memory_space<hbm>> -> memref<320xf32, #tpu.memory_space<hbm>>
      tpu.enqueue_dma source(%dma_start3A_527 : memref<320xf32, #tpu.memory_space<hbm>>) target(%arg14 : memref<320xf32, #tpu.memory_space<vmem>>) target_semaphore(%run_scoped3A : memref<!tpu.dma_semaphore, #tpu.memory_space<semaphore_mem>>)
      %dma_wait3A = tpu.memref_slice %arg4[%mul3A_2] : memref<10240xf32, #tpu.memory_space<hbm>> -> memref<320xf32, #tpu.memory_space<hbm>>
      %dma_wait3A_528 = tpu.memref_slice %arg4[%mul3A_2] : memref<10240xf32, #tpu.memory_space<hbm>> -> memref<320xf32, #tpu.memory_space<hbm>>
      tpu.wait_dma2 semaphore(%run_scoped3A : memref<!tpu.dma_semaphore, #tpu.memory_space<semaphore_mem>>) src(%dma_wait3A_528 : memref<320xf32, #tpu.memory_space<hbm>>) dst(%arg14 : memref<320xf32, #tpu.memory_space<vmem>>)
      tpu.yield
    }) : () -> ()
    %broadcast_in_dim3A = arith.constant 0.000000e+00 : f32
    %broadcast_in_dim3A_3 = vector.broadcast %broadcast_in_dim3A : f32 to vector<16xf32>
    %swap3A = arith.constant 0 : i32
    %swap3A_4 = arith.index_cast %swap3A : i32 to index
    %swap3A_5 = arith.constant 0 : index
    %swap3A_6 = tpu.vector_load %arg18[%swap3A_4, %swap3A_5] {strides = array<i32>} : memref<64x16xf32, #tpu.memory_space<vmem>>, vector<16xf32>,
    tpu.vector_store %arg18[%swap3A_4, %swap3A_5], %broadcast_in_dim3A_3 {strides = array<i32>} : memref<64x16xf32, #tpu.memory_space<vmem>>, vector<16xf32>,
    %swap3A_7 = arith.constant 0 : i32
    %swap3A_8 = arith.index_cast %swap3A_7 : i32 to index
    %swap3A_9 = arith.constant 0 : index
    %swap3A_10 = tpu.vector_load %arg19[%swap3A_8, %swap3A_9] {strides = array<i32>} : memref<64x16xf32, #tpu.memory_space<vmem>>, vector<16xf32>,
    tpu.vector_store %arg19[%swap3A_8, %swap3A_9], %broadcast_in_dim3A_3 {strides = array<i32>} : memref<64x16xf32, #tpu.memory_space<vmem>>, vector<16xf32>,
    %swap3A_11 = arith.constant 1 : i32
    %swap3A_12 = arith.index_cast %swap3A_11 : i32 to index
    %swap3A_13 = arith.constant 0 : index
    %swap3A_14 = tpu.vector_load %arg18[%swap3A_12, %swap3A_13] {strides = array<i32>} : memref<64x16xf32, #tpu.memory_space<vmem>>, vector<16xf32>,
    tpu.vector_store %arg18[%swap3A_12, %swap3A_13], %broadcast_in_dim3A_3 {strides = array<i32>} : memref<64x16xf32, #tpu.memory_space<vmem>>, vector<16xf32>,
    %swap3A_15 = arith.constant 1 : i32
    %swap3A_16 = arith.index_cast %swap3A_15 : i32 to index
    %swap3A_17 = arith.constant 0 : index
    %swap3A_18 = tpu.vector_load %arg19[%swap3A_16, %swap3A_17] {strides = array<i32>} : memref<64x16xf32, #tpu.memory_space<vmem>>, vector<16xf32>,
    tpu.vector_store %arg19[%swap3A_16, %swap3A_17], %broadcast_in_dim3A_3 {strides = array<i32>} : memref<64x16xf32, #tpu.memory_space<vmem>>, vector<16xf32>,
    %swap3A_19 = arith.constant 2 : i32
    %swap3A_20 = arith.index_cast %swap3A_19 : i32 to index
    %swap3A_21 = arith.constant 0 : index
    %swap3A_22 = tpu.vector_load %arg18[%swap3A_20, %swap3A_21] {strides = array<i32>} : memref<64x16xf32, #tpu.memory_space<vmem>>, vector<16xf32>,
    tpu.vector_store %arg18[%swap3A_20, %swap3A_21], %broadcast_in_dim3A_3 {strides = array<i32>} : memref<64x16xf32, #tpu.memory_space<vmem>>, vector<16xf32>,
    %swap3A_23 = arith.constant 2 : i32
    %swap3A_24 = arith.index_cast %swap3A_23 : i32 to index
    %swap3A_25 = arith.constant 0 : index
    %swap3A_26 = tpu.vector_load %arg19[%swap3A_24, %swap3A_25] {strides = array<i32>} : memref<64x16xf32, #tpu.memory_space<vmem>>, vector<16xf32>,
    tpu.vector_store %arg19[%swap3A_24, %swap3A_25], %broadcast_in_dim3A_3 {strides = array<i32>} : memref<64x16xf32, #tpu.memory_space<vmem>>, vector<16xf32>,
    %swap3A_27 = arith.constant 3 : i32
    %swap3A_28 = arith.index_cast %swap3A_27 : i32 to index
    %swap3A_29 = arith.constant 0 : index
    %swap3A_30 = tpu.vector_load %arg18[%swap3A_28, %swap3A_29] {strides = array<i32>} : memref<64x16xf32, #tpu.memory_space<vmem>>, vector<16xf32>,
    tpu.vector_store %arg18[%swap3A_28, %swap3A_29], %broadcast_in_dim3A_3 {strides = array<i32>} : memref<64x16xf32, #tpu.memory_space<vmem>>, vector<16xf32>,
    %swap3A_31 = arith.constant 3 : i32
    %swap3A_32 = arith.index_cast %swap3A_31 : i32 to index
    %swap3A_33 = arith.constant 0 : index
    %swap3A_34 = tpu.vector_load %arg19[%swap3A_32, %swap3A_33] {strides = array<i32>} : memref<64x16xf32, #tpu.memory_space<vmem>>, vector<16xf32>,
    tpu.vector_store %arg19[%swap3A_32, %swap3A_33], %broadcast_in_dim3A_3 {strides = array<i32>} : memref<64x16xf32, #tpu.memory_space<vmem>>, vector<16xf32>,
    %swap3A_35 = arith.constant 4 : i32
    %swap3A_36 = arith.index_cast %swap3A_35 : i32 to index
    %swap3A_37 = arith.constant 0 : index
    %swap3A_38 = tpu.vector_load %arg18[%swap3A_36, %swap3A_37] {strides = array<i32>} : memref<64x16xf32, #tpu.memory_space<vmem>>, vector<16xf32>,
    tpu.vector_store %arg18[%swap3A_36, %swap3A_37], %broadcast_in_dim3A_3 {strides = array<i32>} : memref<64x16xf32, #tpu.memory_space<vmem>>, vector<16xf32>,
    %swap3A_39 = arith.constant 4 : i32
    %swap3A_40 = arith.index_cast %swap3A_39 : i32 to index
    %swap3A_41 = arith.constant 0 : index
    %swap3A_42 = tpu.vector_load %arg19[%swap3A_40, %swap3A_41] {strides = array<i32>} : memref<64x16xf32, #tpu.memory_space<vmem>>, vector<16xf32>,
    tpu.vector_store %arg19[%swap3A_40, %swap3A_41], %broadcast_in_dim3A_3 {strides = array<i32>} : memref<64x16xf32, #tpu.memory_space<vmem>>, vector<16xf32>,
    %swap3A_43 = arith.constant 5 : i32
    %swap3A_44 = arith.index_cast %swap3A_43 : i32 to index
    %swap3A_45 = arith.constant 0 : index
    %swap3A_46 = tpu.vector_load %arg18[%swap3A_44, %swap3A_45] {strides = array<i32>} : memref<64x16xf32, #tpu.memory_space<vmem>>, vector<16xf32>,
    tpu.vector_store %arg18[%swap3A_44, %swap3A_45], %broadcast_in_dim3A_3 {strides = array<i32>} : memref<64x16xf32, #tpu.memory_space<vmem>>, vector<16xf32>,
    %swap3A_47 = arith.constant 5 : i32
    %swap3A_48 = arith.index_cast %swap3A_47 : i32 to index
    %swap3A_49 = arith.constant 0 : index
    %swap3A_50 = tpu.vector_load %arg19[%swap3A_48, %swap3A_49] {strides = array<i32>} : memref<64x16xf32, #tpu.memory_space<vmem>>, vector<16xf32>,
    tpu.vector_store %arg19[%swap3A_48, %swap3A_49], %broadcast_in_dim3A_3 {strides = array<i32>} : memref<64x16xf32, #tpu.memory_space<vmem>>, vector<16xf32>,
    %swap3A_51 = arith.constant 6 : i32
    %swap3A_52 = arith.index_cast %swap3A_51 : i32 to index
    %swap3A_53 = arith.constant 0 : index
    %swap3A_54 = tpu.vector_load %arg18[%swap3A_52, %swap3A_53] {strides = array<i32>} : memref<64x16xf32, #tpu.memory_space<vmem>>, vector<16xf32>,
    tpu.vector_store %arg18[%swap3A_52, %swap3A_53], %broadcast_in_dim3A_3 {strides = array<i32>} : memref<64x16xf32, #tpu.memory_space<vmem>>, vector<16xf32>,
    %swap3A_55 = arith.constant 6 : i32
    %swap3A_56 = arith.index_cast %swap3A_55 : i32 to index
    %swap3A_57 = arith.constant 0 : index
    %swap3A_58 = tpu.vector_load %arg19[%swap3A_56, %swap3A_57] {strides = array<i32>} : memref<64x16xf32, #tpu.memory_space<vmem>>, vector<16xf32>,
    tpu.vector_store %arg19[%swap3A_56, %swap3A_57], %broadcast_in_dim3A_3 {strides = array<i32>} : memref<64x16xf32, #tpu.memory_space<vmem>>, vector<16xf32>,
    %swap3A_59 = arith.constant 7 : i32
    %swap3A_60 = arith.index_cast %swap3A_59 : i32 to index
    %swap3A_61 = arith.constant 0 : index
    %swap3A_62 = tpu.vector_load %arg18[%swap3A_60, %swap3A_61] {strides = array<i32>} : memref<64x16xf32, #tpu.memory_space<vmem>>, vector<16xf32>,
    tpu.vector_store %arg18[%swap3A_60, %swap3A_61], %broadcast_in_dim3A_3 {strides = array<i32>} : memref<64x16xf32, #tpu.memory_space<vmem>>, vector<16xf32>,
    %swap3A_63 = arith.constant 7 : i32
    %swap3A_64 = arith.index_cast %swap3A_63 : i32 to index
    %swap3A_65 = arith.constant 0 : index
    %swap3A_66 = tpu.vector_load %arg19[%swap3A_64, %swap3A_65] {strides = array<i32>} : memref<64x16xf32, #tpu.memory_space<vmem>>, vector<16xf32>,
    tpu.vector_store %arg19[%swap3A_64, %swap3A_65], %broadcast_in_dim3A_3 {strides = array<i32>} : memref<64x16xf32, #tpu.memory_space<vmem>>, vector<16xf32>,
    %swap3A_67 = arith.constant 8 : i32
    %swap3A_68 = arith.index_cast %swap3A_67 : i32 to index
    %swap3A_69 = arith.constant 0 : index
    %swap3A_70 = tpu.vector_load %arg18[%swap3A_68, %swap3A_69] {strides = array<i32>} : memref<64x16xf32, #tpu.memory_space<vmem>>, vector<16xf32>,
    tpu.vector_store %arg18[%swap3A_68, %swap3A_69], %broadcast_in_dim3A_3 {strides = array<i32>} : memref<64x16xf32, #tpu.memory_space<vmem>>, vector<16xf32>,
    %swap3A_71 = arith.constant 8 : i32
    %swap3A_72 = arith.index_cast %swap3A_71 : i32 to index
    %swap3A_73 = arith.constant 0 : index
    %swap3A_74 = tpu.vector_load %arg19[%swap3A_72, %swap3A_73] {strides = array<i32>} : memref<64x16xf32, #tpu.memory_space<vmem>>, vector<16xf32>,
    tpu.vector_store %arg19[%swap3A_72, %swap3A_73], %broadcast_in_dim3A_3 {strides = array<i32>} : memref<64x16xf32, #tpu.memory_space<vmem>>, vector<16xf32>,
    %swap3A_75 = arith.constant 9 : i32
    %swap3A_76 = arith.index_cast %swap3A_75 : i32 to index
    %swap3A_77 = arith.constant 0 : index
    %swap3A_78 = tpu.vector_load %arg18[%swap3A_76, %swap3A_77] {strides = array<i32>} : memref<64x16xf32, #tpu.memory_space<vmem>>, vector<16xf32>,
    tpu.vector_store %arg18[%swap3A_76, %swap3A_77], %broadcast_in_dim3A_3 {strides = array<i32>} : memref<64x16xf32, #tpu.memory_space<vmem>>, vector<16xf32>,
    %swap3A_79 = arith.constant 9 : i32
    %swap3A_80 = arith.index_cast %swap3A_79 : i32 to index
    %swap3A_81 = arith.constant 0 : index
    %swap3A_82 = tpu.vector_load %arg19[%swap3A_80, %swap3A_81] {strides = array<i32>} : memref<64x16xf32, #tpu.memory_space<vmem>>, vector<16xf32>,
    tpu.vector_store %arg19[%swap3A_80, %swap3A_81], %broadcast_in_dim3A_3 {strides = array<i32>} : memref<64x16xf32, #tpu.memory_space<vmem>>, vector<16xf32>,
    %swap3A_83 = arith.constant 10 : i32
    %swap3A_84 = arith.index_cast %swap3A_83 : i32 to index
    %swap3A_85 = arith.constant 0 : index
    %swap3A_86 = tpu.vector_load %arg18[%swap3A_84, %swap3A_85] {strides = array<i32>} : memref<64x16xf32, #tpu.memory_space<vmem>>, vector<16xf32>,
    tpu.vector_store %arg18[%swap3A_84, %swap3A_85], %broadcast_in_dim3A_3 {strides = array<i32>} : memref<64x16xf32, #tpu.memory_space<vmem>>, vector<16xf32>,
    %swap3A_87 = arith.constant 10 : i32
    %swap3A_88 = arith.index_cast %swap3A_87 : i32 to index
    %swap3A_89 = arith.constant 0 : index
    %swap3A_90 = tpu.vector_load %arg19[%swap3A_88, %swap3A_89] {strides = array<i32>} : memref<64x16xf32, #tpu.memory_space<vmem>>, vector<16xf32>,
    tpu.vector_store %arg19[%swap3A_88, %swap3A_89], %broadcast_in_dim3A_3 {strides = array<i32>} : memref<64x16xf32, #tpu.memory_space<vmem>>, vector<16xf32>,
    %swap3A_91 = arith.constant 11 : i32
    %swap3A_92 = arith.index_cast %swap3A_91 : i32 to index
    %swap3A_93 = arith.constant 0 : index
    %swap3A_94 = tpu.vector_load %arg18[%swap3A_92, %swap3A_93] {strides = array<i32>} : memref<64x16xf32, #tpu.memory_space<vmem>>, vector<16xf32>,
    tpu.vector_store %arg18[%swap3A_92, %swap3A_93], %broadcast_in_dim3A_3 {strides = array<i32>} : memref<64x16xf32, #tpu.memory_space<vmem>>, vector<16xf32>,
    %swap3A_95 = arith.constant 11 : i32
    %swap3A_96 = arith.index_cast %swap3A_95 : i32 to index
    %swap3A_97 = arith.constant 0 : index
    %swap3A_98 = tpu.vector_load %arg19[%swap3A_96, %swap3A_97] {strides = array<i32>} : memref<64x16xf32, #tpu.memory_space<vmem>>, vector<16xf32>,
    tpu.vector_store %arg19[%swap3A_96, %swap3A_97], %broadcast_in_dim3A_3 {strides = array<i32>} : memref<64x16xf32, #tpu.memory_space<vmem>>, vector<16xf32>,
    %swap3A_99 = arith.constant 12 : i32
    %swap3A_100 = arith.index_cast %swap3A_99 : i32 to index
    %swap3A_101 = arith.constant 0 : index
    %swap3A_102 = tpu.vector_load %arg18[%swap3A_100, %swap3A_101] {strides = array<i32>} : memref<64x16xf32, #tpu.memory_space<vmem>>, vector<16xf32>,
    tpu.vector_store %arg18[%swap3A_100, %swap3A_101], %broadcast_in_dim3A_3 {strides = array<i32>} : memref<64x16xf32, #tpu.memory_space<vmem>>, vector<16xf32>,
    %swap3A_103 = arith.constant 12 : i32
    %swap3A_104 = arith.index_cast %swap3A_103 : i32 to index
    %swap3A_105 = arith.constant 0 : index
    %swap3A_106 = tpu.vector_load %arg19[%swap3A_104, %swap3A_105] {strides = array<i32>} : memref<64x16xf32, #tpu.memory_space<vmem>>, vector<16xf32>,
    tpu.vector_store %arg19[%swap3A_104, %swap3A_105], %broadcast_in_dim3A_3 {strides = array<i32>} : memref<64x16xf32, #tpu.memory_space<vmem>>, vector<16xf32>,
    %swap3A_107 = arith.constant 13 : i32
    %swap3A_108 = arith.index_cast %swap3A_107 : i32 to index
    %swap3A_109 = arith.constant 0 : index
    %swap3A_110 = tpu.vector_load %arg18[%swap3A_108, %swap3A_109] {strides = array<i32>} : memref<64x16xf32, #tpu.memory_space<vmem>>, vector<16xf32>,
    tpu.vector_store %arg18[%swap3A_108, %swap3A_109], %broadcast_in_dim3A_3 {strides = array<i32>} : memref<64x16xf32, #tpu.memory_space<vmem>>, vector<16xf32>,
    %swap3A_111 = arith.constant 13 : i32
    %swap3A_112 = arith.index_cast %swap3A_111 : i32 to index
    %swap3A_113 = arith.constant 0 : index
    %swap3A_114 = tpu.vector_load %arg19[%swap3A_112, %swap3A_113] {strides = array<i32>} : memref<64x16xf32, #tpu.memory_space<vmem>>, vector<16xf32>,
    tpu.vector_store %arg19[%swap3A_112, %swap3A_113], %broadcast_in_dim3A_3 {strides = array<i32>} : memref<64x16xf32, #tpu.memory_space<vmem>>, vector<16xf32>,
    %swap3A_115 = arith.constant 14 : i32
    %swap3A_116 = arith.index_cast %swap3A_115 : i32 to index
    %swap3A_117 = arith.constant 0 : index
    %swap3A_118 = tpu.vector_load %arg18[%swap3A_116, %swap3A_117] {strides = array<i32>} : memref<64x16xf32, #tpu.memory_space<vmem>>, vector<16xf32>,
    tpu.vector_store %arg18[%swap3A_116, %swap3A_117], %broadcast_in_dim3A_3 {strides = array<i32>} : memref<64x16xf32, #tpu.memory_space<vmem>>, vector<16xf32>,
    %swap3A_119 = arith.constant 14 : i32
    %swap3A_120 = arith.index_cast %swap3A_119 : i32 to index
    %swap3A_121 = arith.constant 0 : index
    %swap3A_122 = tpu.vector_load %arg19[%swap3A_120, %swap3A_121] {strides = array<i32>} : memref<64x16xf32, #tpu.memory_space<vmem>>, vector<16xf32>,
    tpu.vector_store %arg19[%swap3A_120, %swap3A_121], %broadcast_in_dim3A_3 {strides = array<i32>} : memref<64x16xf32, #tpu.memory_space<vmem>>, vector<16xf32>,
    %swap3A_123 = arith.constant 15 : i32
    %swap3A_124 = arith.index_cast %swap3A_123 : i32 to index
    %swap3A_125 = arith.constant 0 : index
    %swap3A_126 = tpu.vector_load %arg18[%swap3A_124, %swap3A_125] {strides = array<i32>} : memref<64x16xf32, #tpu.memory_space<vmem>>, vector<16xf32>,
    tpu.vector_store %arg18[%swap3A_124, %swap3A_125], %broadcast_in_dim3A_3 {strides = array<i32>} : memref<64x16xf32, #tpu.memory_space<vmem>>, vector<16xf32>,
    %swap3A_127 = arith.constant 15 : i32
    %swap3A_128 = arith.index_cast %swap3A_127 : i32 to index
    %swap3A_129 = arith.constant 0 : index
    %swap3A_130 = tpu.vector_load %arg19[%swap3A_128, %swap3A_129] {strides = array<i32>} : memref<64x16xf32, #tpu.memory_space<vmem>>, vector<16xf32>,
    tpu.vector_store %arg19[%swap3A_128, %swap3A_129], %broadcast_in_dim3A_3 {strides = array<i32>} : memref<64x16xf32, #tpu.memory_space<vmem>>, vector<16xf32>,
    %swap3A_131 = arith.constant 16 : i32
    %swap3A_132 = arith.index_cast %swap3A_131 : i32 to index
    %swap3A_133 = arith.constant 0 : index
    %swap3A_134 = tpu.vector_load %arg18[%swap3A_132, %swap3A_133] {strides = array<i32>} : memref<64x16xf32, #tpu.memory_space<vmem>>, vector<16xf32>,
    tpu.vector_store %arg18[%swap3A_132, %swap3A_133], %broadcast_in_dim3A_3 {strides = array<i32>} : memref<64x16xf32, #tpu.memory_space<vmem>>, vector<16xf32>,
    %swap3A_135 = arith.constant 16 : i32
    %swap3A_136 = arith.index_cast %swap3A_135 : i32 to index
    %swap3A_137 = arith.constant 0 : index
    %swap3A_138 = tpu.vector_load %arg19[%swap3A_136, %swap3A_137] {strides = array<i32>} : memref<64x16xf32, #tpu.memory_space<vmem>>, vector<16xf32>,
    tpu.vector_store %arg19[%swap3A_136, %swap3A_137], %broadcast_in_dim3A_3 {strides = array<i32>} : memref<64x16xf32, #tpu.memory_space<vmem>>, vector<16xf32>,
    %swap3A_139 = arith.constant 17 : i32
    %swap3A_140 = arith.index_cast %swap3A_139 : i32 to index
    %swap3A_141 = arith.constant 0 : index
    %swap3A_142 = tpu.vector_load %arg18[%swap3A_140, %swap3A_141] {strides = array<i32>} : memref<64x16xf32, #tpu.memory_space<vmem>>, vector<16xf32>,
    tpu.vector_store %arg18[%swap3A_140, %swap3A_141], %broadcast_in_dim3A_3 {strides = array<i32>} : memref<64x16xf32, #tpu.memory_space<vmem>>, vector<16xf32>,
    %swap3A_143 = arith.constant 17 : i32
    %swap3A_144 = arith.index_cast %swap3A_143 : i32 to index
    %swap3A_145 = arith.constant 0 : index
    %swap3A_146 = tpu.vector_load %arg19[%swap3A_144, %swap3A_145] {strides = array<i32>} : memref<64x16xf32, #tpu.memory_space<vmem>>, vector<16xf32>,
    tpu.vector_store %arg19[%swap3A_144, %swap3A_145], %broadcast_in_dim3A_3 {strides = array<i32>} : memref<64x16xf32, #tpu.memory_space<vmem>>, vector<16xf32>,
    %swap3A_147 = arith.constant 18 : i32
    %swap3A_148 = arith.index_cast %swap3A_147 : i32 to index
    %swap3A_149 = arith.constant 0 : index
    %swap3A_150 = tpu.vector_load %arg18[%swap3A_148, %swap3A_149] {strides = array<i32>} : memref<64x16xf32, #tpu.memory_space<vmem>>, vector<16xf32>,
    tpu.vector_store %arg18[%swap3A_148, %swap3A_149], %broadcast_in_dim3A_3 {strides = array<i32>} : memref<64x16xf32, #tpu.memory_space<vmem>>, vector<16xf32>,
    %swap3A_151 = arith.constant 18 : i32
    %swap3A_152 = arith.index_cast %swap3A_151 : i32 to index
    %swap3A_153 = arith.constant 0 : index
    %swap3A_154 = tpu.vector_load %arg19[%swap3A_152, %swap3A_153] {strides = array<i32>} : memref<64x16xf32, #tpu.memory_space<vmem>>, vector<16xf32>,
    tpu.vector_store %arg19[%swap3A_152, %swap3A_153], %broadcast_in_dim3A_3 {strides = array<i32>} : memref<64x16xf32, #tpu.memory_space<vmem>>, vector<16xf32>,
    %swap3A_155 = arith.constant 19 : i32
    %swap3A_156 = arith.index_cast %swap3A_155 : i32 to index
    %swap3A_157 = arith.constant 0 : index
    %swap3A_158 = tpu.vector_load %arg18[%swap3A_156, %swap3A_157] {strides = array<i32>} : memref<64x16xf32, #tpu.memory_space<vmem>>, vector<16xf32>,
    tpu.vector_store %arg18[%swap3A_156, %swap3A_157], %broadcast_in_dim3A_3 {strides = array<i32>} : memref<64x16xf32, #tpu.memory_space<vmem>>, vector<16xf32>,
    %swap3A_159 = arith.constant 19 : i32
    %swap3A_160 = arith.index_cast %swap3A_159 : i32 to index
    %swap3A_161 = arith.constant 0 : index
    %swap3A_162 = tpu.vector_load %arg19[%swap3A_160, %swap3A_161] {strides = array<i32>} : memref<64x16xf32, #tpu.memory_space<vmem>>, vector<16xf32>,
    tpu.vector_store %arg19[%swap3A_160, %swap3A_161], %broadcast_in_dim3A_3 {strides = array<i32>} : memref<64x16xf32, #tpu.memory_space<vmem>>, vector<16xf32>,
    %swap3A_163 = arith.constant 20 : i32
    %swap3A_164 = arith.index_cast %swap3A_163 : i32 to index
    %swap3A_165 = arith.constant 0 : index
    %swap3A_166 = tpu.vector_load %arg18[%swap3A_164, %swap3A_165] {strides = array<i32>} : memref<64x16xf32, #tpu.memory_space<vmem>>, vector<16xf32>,
    tpu.vector_store %arg18[%swap3A_164, %swap3A_165], %broadcast_in_dim3A_3 {strides = array<i32>} : memref<64x16xf32, #tpu.memory_space<vmem>>, vector<16xf32>,
    %swap3A_167 = arith.constant 20 : i32
    %swap3A_168 = arith.index_cast %swap3A_167 : i32 to index
    %swap3A_169 = arith.constant 0 : index
    %swap3A_170 = tpu.vector_load %arg19[%swap3A_168, %swap3A_169] {strides = array<i32>} : memref<64x16xf32, #tpu.memory_space<vmem>>, vector<16xf32>,
    tpu.vector_store %arg19[%swap3A_168, %swap3A_169], %broadcast_in_dim3A_3 {strides = array<i32>} : memref<64x16xf32, #tpu.memory_space<vmem>>, vector<16xf32>,
    %swap3A_171 = arith.constant 21 : i32
    %swap3A_172 = arith.index_cast %swap3A_171 : i32 to index
    %swap3A_173 = arith.constant 0 : index
    %swap3A_174 = tpu.vector_load %arg18[%swap3A_172, %swap3A_173] {strides = array<i32>} : memref<64x16xf32, #tpu.memory_space<vmem>>, vector<16xf32>,
    tpu.vector_store %arg18[%swap3A_172, %swap3A_173], %broadcast_in_dim3A_3 {strides = array<i32>} : memref<64x16xf32, #tpu.memory_space<vmem>>, vector<16xf32>,
    %swap3A_175 = arith.constant 21 : i32
    %swap3A_176 = arith.index_cast %swap3A_175 : i32 to index
    %swap3A_177 = arith.constant 0 : index
    %swap3A_178 = tpu.vector_load %arg19[%swap3A_176, %swap3A_177] {strides = array<i32>} : memref<64x16xf32, #tpu.memory_space<vmem>>, vector<16xf32>,
    tpu.vector_store %arg19[%swap3A_176, %swap3A_177], %broadcast_in_dim3A_3 {strides = array<i32>} : memref<64x16xf32, #tpu.memory_space<vmem>>, vector<16xf32>,
    %swap3A_179 = arith.constant 22 : i32
    %swap3A_180 = arith.index_cast %swap3A_179 : i32 to index
    %swap3A_181 = arith.constant 0 : index
    %swap3A_182 = tpu.vector_load %arg18[%swap3A_180, %swap3A_181] {strides = array<i32>} : memref<64x16xf32, #tpu.memory_space<vmem>>, vector<16xf32>,
    tpu.vector_store %arg18[%swap3A_180, %swap3A_181], %broadcast_in_dim3A_3 {strides = array<i32>} : memref<64x16xf32, #tpu.memory_space<vmem>>, vector<16xf32>,
    %swap3A_183 = arith.constant 22 : i32
    %swap3A_184 = arith.index_cast %swap3A_183 : i32 to index
    %swap3A_185 = arith.constant 0 : index
    %swap3A_186 = tpu.vector_load %arg19[%swap3A_184, %swap3A_185] {strides = array<i32>} : memref<64x16xf32, #tpu.memory_space<vmem>>, vector<16xf32>,
    tpu.vector_store %arg19[%swap3A_184, %swap3A_185], %broadcast_in_dim3A_3 {strides = array<i32>} : memref<64x16xf32, #tpu.memory_space<vmem>>, vector<16xf32>,
    %swap3A_187 = arith.constant 23 : i32
    %swap3A_188 = arith.index_cast %swap3A_187 : i32 to index
    %swap3A_189 = arith.constant 0 : index
    %swap3A_190 = tpu.vector_load %arg18[%swap3A_188, %swap3A_189] {strides = array<i32>} : memref<64x16xf32, #tpu.memory_space<vmem>>, vector<16xf32>,
    tpu.vector_store %arg18[%swap3A_188, %swap3A_189], %broadcast_in_dim3A_3 {strides = array<i32>} : memref<64x16xf32, #tpu.memory_space<vmem>>, vector<16xf32>,
    %swap3A_191 = arith.constant 23 : i32
    %swap3A_192 = arith.index_cast %swap3A_191 : i32 to index
    %swap3A_193 = arith.constant 0 : index
    %swap3A_194 = tpu.vector_load %arg19[%swap3A_192, %swap3A_193] {strides = array<i32>} : memref<64x16xf32, #tpu.memory_space<vmem>>, vector<16xf32>,
    tpu.vector_store %arg19[%swap3A_192, %swap3A_193], %broadcast_in_dim3A_3 {strides = array<i32>} : memref<64x16xf32, #tpu.memory_space<vmem>>, vector<16xf32>,
    %swap3A_195 = arith.constant 24 : i32
    %swap3A_196 = arith.index_cast %swap3A_195 : i32 to index
    %swap3A_197 = arith.constant 0 : index
    %swap3A_198 = tpu.vector_load %arg18[%swap3A_196, %swap3A_197] {strides = array<i32>} : memref<64x16xf32, #tpu.memory_space<vmem>>, vector<16xf32>,
    tpu.vector_store %arg18[%swap3A_196, %swap3A_197], %broadcast_in_dim3A_3 {strides = array<i32>} : memref<64x16xf32, #tpu.memory_space<vmem>>, vector<16xf32>,
    %swap3A_199 = arith.constant 24 : i32
    %swap3A_200 = arith.index_cast %swap3A_199 : i32 to index
    %swap3A_201 = arith.constant 0 : index
    %swap3A_202 = tpu.vector_load %arg19[%swap3A_200, %swap3A_201] {strides = array<i32>} : memref<64x16xf32, #tpu.memory_space<vmem>>, vector<16xf32>,
    tpu.vector_store %arg19[%swap3A_200, %swap3A_201], %broadcast_in_dim3A_3 {strides = array<i32>} : memref<64x16xf32, #tpu.memory_space<vmem>>, vector<16xf32>,
    %swap3A_203 = arith.constant 25 : i32
    %swap3A_204 = arith.index_cast %swap3A_203 : i32 to index
    %swap3A_205 = arith.constant 0 : index
    %swap3A_206 = tpu.vector_load %arg18[%swap3A_204, %swap3A_205] {strides = array<i32>} : memref<64x16xf32, #tpu.memory_space<vmem>>, vector<16xf32>,
    tpu.vector_store %arg18[%swap3A_204, %swap3A_205], %broadcast_in_dim3A_3 {strides = array<i32>} : memref<64x16xf32, #tpu.memory_space<vmem>>, vector<16xf32>,
    %swap3A_207 = arith.constant 25 : i32
    %swap3A_208 = arith.index_cast %swap3A_207 : i32 to index
    %swap3A_209 = arith.constant 0 : index
    %swap3A_210 = tpu.vector_load %arg19[%swap3A_208, %swap3A_209] {strides = array<i32>} : memref<64x16xf32, #tpu.memory_space<vmem>>, vector<16xf32>,
    tpu.vector_store %arg19[%swap3A_208, %swap3A_209], %broadcast_in_dim3A_3 {strides = array<i32>} : memref<64x16xf32, #tpu.memory_space<vmem>>, vector<16xf32>,
    %swap3A_211 = arith.constant 26 : i32
    %swap3A_212 = arith.index_cast %swap3A_211 : i32 to index
    %swap3A_213 = arith.constant 0 : index
    %swap3A_214 = tpu.vector_load %arg18[%swap3A_212, %swap3A_213] {strides = array<i32>} : memref<64x16xf32, #tpu.memory_space<vmem>>, vector<16xf32>,
    tpu.vector_store %arg18[%swap3A_212, %swap3A_213], %broadcast_in_dim3A_3 {strides = array<i32>} : memref<64x16xf32, #tpu.memory_space<vmem>>, vector<16xf32>,
    %swap3A_215 = arith.constant 26 : i32
    %swap3A_216 = arith.index_cast %swap3A_215 : i32 to index
    %swap3A_217 = arith.constant 0 : index
    %swap3A_218 = tpu.vector_load %arg19[%swap3A_216, %swap3A_217] {strides = array<i32>} : memref<64x16xf32, #tpu.memory_space<vmem>>, vector<16xf32>,
    tpu.vector_store %arg19[%swap3A_216, %swap3A_217], %broadcast_in_dim3A_3 {strides = array<i32>} : memref<64x16xf32, #tpu.memory_space<vmem>>, vector<16xf32>,
    %swap3A_219 = arith.constant 27 : i32
    %swap3A_220 = arith.index_cast %swap3A_219 : i32 to index
    %swap3A_221 = arith.constant 0 : index
    %swap3A_222 = tpu.vector_load %arg18[%swap3A_220, %swap3A_221] {strides = array<i32>} : memref<64x16xf32, #tpu.memory_space<vmem>>, vector<16xf32>,
    tpu.vector_store %arg18[%swap3A_220, %swap3A_221], %broadcast_in_dim3A_3 {strides = array<i32>} : memref<64x16xf32, #tpu.memory_space<vmem>>, vector<16xf32>,
    %swap3A_223 = arith.constant 27 : i32
    %swap3A_224 = arith.index_cast %swap3A_223 : i32 to index
    %swap3A_225 = arith.constant 0 : index
    %swap3A_226 = tpu.vector_load %arg19[%swap3A_224, %swap3A_225] {strides = array<i32>} : memref<64x16xf32, #tpu.memory_space<vmem>>, vector<16xf32>,
    tpu.vector_store %arg19[%swap3A_224, %swap3A_225], %broadcast_in_dim3A_3 {strides = array<i32>} : memref<64x16xf32, #tpu.memory_space<vmem>>, vector<16xf32>,
    %swap3A_227 = arith.constant 28 : i32
    %swap3A_228 = arith.index_cast %swap3A_227 : i32 to index
    %swap3A_229 = arith.constant 0 : index
    %swap3A_230 = tpu.vector_load %arg18[%swap3A_228, %swap3A_229] {strides = array<i32>} : memref<64x16xf32, #tpu.memory_space<vmem>>, vector<16xf32>,
    tpu.vector_store %arg18[%swap3A_228, %swap3A_229], %broadcast_in_dim3A_3 {strides = array<i32>} : memref<64x16xf32, #tpu.memory_space<vmem>>, vector<16xf32>,
    %swap3A_231 = arith.constant 28 : i32
    %swap3A_232 = arith.index_cast %swap3A_231 : i32 to index
    %swap3A_233 = arith.constant 0 : index
    %swap3A_234 = tpu.vector_load %arg19[%swap3A_232, %swap3A_233] {strides = array<i32>} : memref<64x16xf32, #tpu.memory_space<vmem>>, vector<16xf32>,
    tpu.vector_store %arg19[%swap3A_232, %swap3A_233], %broadcast_in_dim3A_3 {strides = array<i32>} : memref<64x16xf32, #tpu.memory_space<vmem>>, vector<16xf32>,
    %swap3A_235 = arith.constant 29 : i32
    %swap3A_236 = arith.index_cast %swap3A_235 : i32 to index
    %swap3A_237 = arith.constant 0 : index
    %swap3A_238 = tpu.vector_load %arg18[%swap3A_236, %swap3A_237] {strides = array<i32>} : memref<64x16xf32, #tpu.memory_space<vmem>>, vector<16xf32>,
    tpu.vector_store %arg18[%swap3A_236, %swap3A_237], %broadcast_in_dim3A_3 {strides = array<i32>} : memref<64x16xf32, #tpu.memory_space<vmem>>, vector<16xf32>,
    %swap3A_239 = arith.constant 29 : i32
    %swap3A_240 = arith.index_cast %swap3A_239 : i32 to index
    %swap3A_241 = arith.constant 0 : index
    %swap3A_242 = tpu.vector_load %arg19[%swap3A_240, %swap3A_241] {strides = array<i32>} : memref<64x16xf32, #tpu.memory_space<vmem>>, vector<16xf32>,
    tpu.vector_store %arg19[%swap3A_240, %swap3A_241], %broadcast_in_dim3A_3 {strides = array<i32>} : memref<64x16xf32, #tpu.memory_space<vmem>>, vector<16xf32>,
    %swap3A_243 = arith.constant 30 : i32
    %swap3A_244 = arith.index_cast %swap3A_243 : i32 to index
    %swap3A_245 = arith.constant 0 : index
    %swap3A_246 = tpu.vector_load %arg18[%swap3A_244, %swap3A_245] {strides = array<i32>} : memref<64x16xf32, #tpu.memory_space<vmem>>, vector<16xf32>,
    tpu.vector_store %arg18[%swap3A_244, %swap3A_245], %broadcast_in_dim3A_3 {strides = array<i32>} : memref<64x16xf32, #tpu.memory_space<vmem>>, vector<16xf32>,
    %swap3A_247 = arith.constant 30 : i32
    %swap3A_248 = arith.index_cast %swap3A_247 : i32 to index
    %swap3A_249 = arith.constant 0 : index
    %swap3A_250 = tpu.vector_load %arg19[%swap3A_248, %swap3A_249] {strides = array<i32>} : memref<64x16xf32, #tpu.memory_space<vmem>>, vector<16xf32>,
    tpu.vector_store %arg19[%swap3A_248, %swap3A_249], %broadcast_in_dim3A_3 {strides = array<i32>} : memref<64x16xf32, #tpu.memory_space<vmem>>, vector<16xf32>,
    %swap3A_251 = arith.constant 31 : i32
    %swap3A_252 = arith.index_cast %swap3A_251 : i32 to index
    %swap3A_253 = arith.constant 0 : index
    %swap3A_254 = tpu.vector_load %arg18[%swap3A_252, %swap3A_253] {strides = array<i32>} : memref<64x16xf32, #tpu.memory_space<vmem>>, vector<16xf32>,
    tpu.vector_store %arg18[%swap3A_252, %swap3A_253], %broadcast_in_dim3A_3 {strides = array<i32>} : memref<64x16xf32, #tpu.memory_space<vmem>>, vector<16xf32>,
    %swap3A_255 = arith.constant 31 : i32
    %swap3A_256 = arith.index_cast %swap3A_255 : i32 to index
    %swap3A_257 = arith.constant 0 : index
    %swap3A_258 = tpu.vector_load %arg19[%swap3A_256, %swap3A_257] {strides = array<i32>} : memref<64x16xf32, #tpu.memory_space<vmem>>, vector<16xf32>,
    tpu.vector_store %arg19[%swap3A_256, %swap3A_257], %broadcast_in_dim3A_3 {strides = array<i32>} : memref<64x16xf32, #tpu.memory_space<vmem>>, vector<16xf32>,
    %swap3A_259 = arith.constant 32 : i32
    %swap3A_260 = arith.index_cast %swap3A_259 : i32 to index
    %swap3A_261 = arith.constant 0 : index
    %swap3A_262 = tpu.vector_load %arg18[%swap3A_260, %swap3A_261] {strides = array<i32>} : memref<64x16xf32, #tpu.memory_space<vmem>>, vector<16xf32>,
    tpu.vector_store %arg18[%swap3A_260, %swap3A_261], %broadcast_in_dim3A_3 {strides = array<i32>} : memref<64x16xf32, #tpu.memory_space<vmem>>, vector<16xf32>,
    %swap3A_263 = arith.constant 32 : i32
    %swap3A_264 = arith.index_cast %swap3A_263 : i32 to index
    %swap3A_265 = arith.constant 0 : index
    %swap3A_266 = tpu.vector_load %arg19[%swap3A_264, %swap3A_265] {strides = array<i32>} : memref<64x16xf32, #tpu.memory_space<vmem>>, vector<16xf32>,
    tpu.vector_store %arg19[%swap3A_264, %swap3A_265], %broadcast_in_dim3A_3 {strides = array<i32>} : memref<64x16xf32, #tpu.memory_space<vmem>>, vector<16xf32>,
    %swap3A_267 = arith.constant 33 : i32
    %swap3A_268 = arith.index_cast %swap3A_267 : i32 to index
    %swap3A_269 = arith.constant 0 : index
    %swap3A_270 = tpu.vector_load %arg18[%swap3A_268, %swap3A_269] {strides = array<i32>} : memref<64x16xf32, #tpu.memory_space<vmem>>, vector<16xf32>,
    tpu.vector_store %arg18[%swap3A_268, %swap3A_269], %broadcast_in_dim3A_3 {strides = array<i32>} : memref<64x16xf32, #tpu.memory_space<vmem>>, vector<16xf32>,
    %swap3A_271 = arith.constant 33 : i32
    %swap3A_272 = arith.index_cast %swap3A_271 : i32 to index
    %swap3A_273 = arith.constant 0 : index
    %swap3A_274 = tpu.vector_load %arg19[%swap3A_272, %swap3A_273] {strides = array<i32>} : memref<64x16xf32, #tpu.memory_space<vmem>>, vector<16xf32>,
    tpu.vector_store %arg19[%swap3A_272, %swap3A_273], %broadcast_in_dim3A_3 {strides = array<i32>} : memref<64x16xf32, #tpu.memory_space<vmem>>, vector<16xf32>,
    %swap3A_275 = arith.constant 34 : i32
    %swap3A_276 = arith.index_cast %swap3A_275 : i32 to index
    %swap3A_277 = arith.constant 0 : index
    %swap3A_278 = tpu.vector_load %arg18[%swap3A_276, %swap3A_277] {strides = array<i32>} : memref<64x16xf32, #tpu.memory_space<vmem>>, vector<16xf32>,
    tpu.vector_store %arg18[%swap3A_276, %swap3A_277], %broadcast_in_dim3A_3 {strides = array<i32>} : memref<64x16xf32, #tpu.memory_space<vmem>>, vector<16xf32>,
    %swap3A_279 = arith.constant 34 : i32
    %swap3A_280 = arith.index_cast %swap3A_279 : i32 to index
    %swap3A_281 = arith.constant 0 : index
    %swap3A_282 = tpu.vector_load %arg19[%swap3A_280, %swap3A_281] {strides = array<i32>} : memref<64x16xf32, #tpu.memory_space<vmem>>, vector<16xf32>,
    tpu.vector_store %arg19[%swap3A_280, %swap3A_281], %broadcast_in_dim3A_3 {strides = array<i32>} : memref<64x16xf32, #tpu.memory_space<vmem>>, vector<16xf32>,
    %swap3A_283 = arith.constant 35 : i32
    %swap3A_284 = arith.index_cast %swap3A_283 : i32 to index
    %swap3A_285 = arith.constant 0 : index
    %swap3A_286 = tpu.vector_load %arg18[%swap3A_284, %swap3A_285] {strides = array<i32>} : memref<64x16xf32, #tpu.memory_space<vmem>>, vector<16xf32>,
    tpu.vector_store %arg18[%swap3A_284, %swap3A_285], %broadcast_in_dim3A_3 {strides = array<i32>} : memref<64x16xf32, #tpu.memory_space<vmem>>, vector<16xf32>,
    %swap3A_287 = arith.constant 35 : i32
    %swap3A_288 = arith.index_cast %swap3A_287 : i32 to index
    %swap3A_289 = arith.constant 0 : index
    %swap3A_290 = tpu.vector_load %arg19[%swap3A_288, %swap3A_289] {strides = array<i32>} : memref<64x16xf32, #tpu.memory_space<vmem>>, vector<16xf32>,
    tpu.vector_store %arg19[%swap3A_288, %swap3A_289], %broadcast_in_dim3A_3 {strides = array<i32>} : memref<64x16xf32, #tpu.memory_space<vmem>>, vector<16xf32>,
    %swap3A_291 = arith.constant 36 : i32
    %swap3A_292 = arith.index_cast %swap3A_291 : i32 to index
    %swap3A_293 = arith.constant 0 : index
    %swap3A_294 = tpu.vector_load %arg18[%swap3A_292, %swap3A_293] {strides = array<i32>} : memref<64x16xf32, #tpu.memory_space<vmem>>, vector<16xf32>,
    tpu.vector_store %arg18[%swap3A_292, %swap3A_293], %broadcast_in_dim3A_3 {strides = array<i32>} : memref<64x16xf32, #tpu.memory_space<vmem>>, vector<16xf32>,
    %swap3A_295 = arith.constant 36 : i32
    %swap3A_296 = arith.index_cast %swap3A_295 : i32 to index
    %swap3A_297 = arith.constant 0 : index
    %swap3A_298 = tpu.vector_load %arg19[%swap3A_296, %swap3A_297] {strides = array<i32>} : memref<64x16xf32, #tpu.memory_space<vmem>>, vector<16xf32>,
    tpu.vector_store %arg19[%swap3A_296, %swap3A_297], %broadcast_in_dim3A_3 {strides = array<i32>} : memref<64x16xf32, #tpu.memory_space<vmem>>, vector<16xf32>,
    %swap3A_299 = arith.constant 37 : i32
    %swap3A_300 = arith.index_cast %swap3A_299 : i32 to index
    %swap3A_301 = arith.constant 0 : index
    %swap3A_302 = tpu.vector_load %arg18[%swap3A_300, %swap3A_301] {strides = array<i32>} : memref<64x16xf32, #tpu.memory_space<vmem>>, vector<16xf32>,
    tpu.vector_store %arg18[%swap3A_300, %swap3A_301], %broadcast_in_dim3A_3 {strides = array<i32>} : memref<64x16xf32, #tpu.memory_space<vmem>>, vector<16xf32>,
    %swap3A_303 = arith.constant 37 : i32
    %swap3A_304 = arith.index_cast %swap3A_303 : i32 to index
    %swap3A_305 = arith.constant 0 : index
    %swap3A_306 = tpu.vector_load %arg19[%swap3A_304, %swap3A_305] {strides = array<i32>} : memref<64x16xf32, #tpu.memory_space<vmem>>, vector<16xf32>,
    tpu.vector_store %arg19[%swap3A_304, %swap3A_305], %broadcast_in_dim3A_3 {strides = array<i32>} : memref<64x16xf32, #tpu.memory_space<vmem>>, vector<16xf32>,
    %swap3A_307 = arith.constant 38 : i32
    %swap3A_308 = arith.index_cast %swap3A_307 : i32 to index
    %swap3A_309 = arith.constant 0 : index
    %swap3A_310 = tpu.vector_load %arg18[%swap3A_308, %swap3A_309] {strides = array<i32>} : memref<64x16xf32, #tpu.memory_space<vmem>>, vector<16xf32>,
    tpu.vector_store %arg18[%swap3A_308, %swap3A_309], %broadcast_in_dim3A_3 {strides = array<i32>} : memref<64x16xf32, #tpu.memory_space<vmem>>, vector<16xf32>,
    %swap3A_311 = arith.constant 38 : i32
    %swap3A_312 = arith.index_cast %swap3A_311 : i32 to index
    %swap3A_313 = arith.constant 0 : index
    %swap3A_314 = tpu.vector_load %arg19[%swap3A_312, %swap3A_313] {strides = array<i32>} : memref<64x16xf32, #tpu.memory_space<vmem>>, vector<16xf32>,
    tpu.vector_store %arg19[%swap3A_312, %swap3A_313], %broadcast_in_dim3A_3 {strides = array<i32>} : memref<64x16xf32, #tpu.memory_space<vmem>>, vector<16xf32>,
    %swap3A_315 = arith.constant 39 : i32
    %swap3A_316 = arith.index_cast %swap3A_315 : i32 to index
    %swap3A_317 = arith.constant 0 : index
    %swap3A_318 = tpu.vector_load %arg18[%swap3A_316, %swap3A_317] {strides = array<i32>} : memref<64x16xf32, #tpu.memory_space<vmem>>, vector<16xf32>,
    tpu.vector_store %arg18[%swap3A_316, %swap3A_317], %broadcast_in_dim3A_3 {strides = array<i32>} : memref<64x16xf32, #tpu.memory_space<vmem>>, vector<16xf32>,
    %swap3A_319 = arith.constant 39 : i32
    %swap3A_320 = arith.index_cast %swap3A_319 : i32 to index
    %swap3A_321 = arith.constant 0 : index
    %swap3A_322 = tpu.vector_load %arg19[%swap3A_320, %swap3A_321] {strides = array<i32>} : memref<64x16xf32, #tpu.memory_space<vmem>>, vector<16xf32>,
    tpu.vector_store %arg19[%swap3A_320, %swap3A_321], %broadcast_in_dim3A_3 {strides = array<i32>} : memref<64x16xf32, #tpu.memory_space<vmem>>, vector<16xf32>,
    %swap3A_323 = arith.constant 40 : i32
    %swap3A_324 = arith.index_cast %swap3A_323 : i32 to index
    %swap3A_325 = arith.constant 0 : index
    %swap3A_326 = tpu.vector_load %arg18[%swap3A_324, %swap3A_325] {strides = array<i32>} : memref<64x16xf32, #tpu.memory_space<vmem>>, vector<16xf32>,
    tpu.vector_store %arg18[%swap3A_324, %swap3A_325], %broadcast_in_dim3A_3 {strides = array<i32>} : memref<64x16xf32, #tpu.memory_space<vmem>>, vector<16xf32>,
    %swap3A_327 = arith.constant 40 : i32
    %swap3A_328 = arith.index_cast %swap3A_327 : i32 to index
    %swap3A_329 = arith.constant 0 : index
    %swap3A_330 = tpu.vector_load %arg19[%swap3A_328, %swap3A_329] {strides = array<i32>} : memref<64x16xf32, #tpu.memory_space<vmem>>, vector<16xf32>,
    tpu.vector_store %arg19[%swap3A_328, %swap3A_329], %broadcast_in_dim3A_3 {strides = array<i32>} : memref<64x16xf32, #tpu.memory_space<vmem>>, vector<16xf32>,
    %swap3A_331 = arith.constant 41 : i32
    %swap3A_332 = arith.index_cast %swap3A_331 : i32 to index
    %swap3A_333 = arith.constant 0 : index
    %swap3A_334 = tpu.vector_load %arg18[%swap3A_332, %swap3A_333] {strides = array<i32>} : memref<64x16xf32, #tpu.memory_space<vmem>>, vector<16xf32>,
    tpu.vector_store %arg18[%swap3A_332, %swap3A_333], %broadcast_in_dim3A_3 {strides = array<i32>} : memref<64x16xf32, #tpu.memory_space<vmem>>, vector<16xf32>,
    %swap3A_335 = arith.constant 41 : i32
    %swap3A_336 = arith.index_cast %swap3A_335 : i32 to index
    %swap3A_337 = arith.constant 0 : index
    %swap3A_338 = tpu.vector_load %arg19[%swap3A_336, %swap3A_337] {strides = array<i32>} : memref<64x16xf32, #tpu.memory_space<vmem>>, vector<16xf32>,
    tpu.vector_store %arg19[%swap3A_336, %swap3A_337], %broadcast_in_dim3A_3 {strides = array<i32>} : memref<64x16xf32, #tpu.memory_space<vmem>>, vector<16xf32>,
    %swap3A_339 = arith.constant 42 : i32
    %swap3A_340 = arith.index_cast %swap3A_339 : i32 to index
    %swap3A_341 = arith.constant 0 : index
    %swap3A_342 = tpu.vector_load %arg18[%swap3A_340, %swap3A_341] {strides = array<i32>} : memref<64x16xf32, #tpu.memory_space<vmem>>, vector<16xf32>,
    tpu.vector_store %arg18[%swap3A_340, %swap3A_341], %broadcast_in_dim3A_3 {strides = array<i32>} : memref<64x16xf32, #tpu.memory_space<vmem>>, vector<16xf32>,
    %swap3A_343 = arith.constant 42 : i32
    %swap3A_344 = arith.index_cast %swap3A_343 : i32 to index
    %swap3A_345 = arith.constant 0 : index
    %swap3A_346 = tpu.vector_load %arg19[%swap3A_344, %swap3A_345] {strides = array<i32>} : memref<64x16xf32, #tpu.memory_space<vmem>>, vector<16xf32>,
    tpu.vector_store %arg19[%swap3A_344, %swap3A_345], %broadcast_in_dim3A_3 {strides = array<i32>} : memref<64x16xf32, #tpu.memory_space<vmem>>, vector<16xf32>,
    %swap3A_347 = arith.constant 43 : i32
    %swap3A_348 = arith.index_cast %swap3A_347 : i32 to index
    %swap3A_349 = arith.constant 0 : index
    %swap3A_350 = tpu.vector_load %arg18[%swap3A_348, %swap3A_349] {strides = array<i32>} : memref<64x16xf32, #tpu.memory_space<vmem>>, vector<16xf32>,
    tpu.vector_store %arg18[%swap3A_348, %swap3A_349], %broadcast_in_dim3A_3 {strides = array<i32>} : memref<64x16xf32, #tpu.memory_space<vmem>>, vector<16xf32>,
    %swap3A_351 = arith.constant 43 : i32
    %swap3A_352 = arith.index_cast %swap3A_351 : i32 to index
    %swap3A_353 = arith.constant 0 : index
    %swap3A_354 = tpu.vector_load %arg19[%swap3A_352, %swap3A_353] {strides = array<i32>} : memref<64x16xf32, #tpu.memory_space<vmem>>, vector<16xf32>,
    tpu.vector_store %arg19[%swap3A_352, %swap3A_353], %broadcast_in_dim3A_3 {strides = array<i32>} : memref<64x16xf32, #tpu.memory_space<vmem>>, vector<16xf32>,
    %swap3A_355 = arith.constant 44 : i32
    %swap3A_356 = arith.index_cast %swap3A_355 : i32 to index
    %swap3A_357 = arith.constant 0 : index
    %swap3A_358 = tpu.vector_load %arg18[%swap3A_356, %swap3A_357] {strides = array<i32>} : memref<64x16xf32, #tpu.memory_space<vmem>>, vector<16xf32>,
    tpu.vector_store %arg18[%swap3A_356, %swap3A_357], %broadcast_in_dim3A_3 {strides = array<i32>} : memref<64x16xf32, #tpu.memory_space<vmem>>, vector<16xf32>,
    %swap3A_359 = arith.constant 44 : i32
    %swap3A_360 = arith.index_cast %swap3A_359 : i32 to index
    %swap3A_361 = arith.constant 0 : index
    %swap3A_362 = tpu.vector_load %arg19[%swap3A_360, %swap3A_361] {strides = array<i32>} : memref<64x16xf32, #tpu.memory_space<vmem>>, vector<16xf32>,
    tpu.vector_store %arg19[%swap3A_360, %swap3A_361], %broadcast_in_dim3A_3 {strides = array<i32>} : memref<64x16xf32, #tpu.memory_space<vmem>>, vector<16xf32>,
    %swap3A_363 = arith.constant 45 : i32
    %swap3A_364 = arith.index_cast %swap3A_363 : i32 to index
    %swap3A_365 = arith.constant 0 : index
    %swap3A_366 = tpu.vector_load %arg18[%swap3A_364, %swap3A_365] {strides = array<i32>} : memref<64x16xf32, #tpu.memory_space<vmem>>, vector<16xf32>,
    tpu.vector_store %arg18[%swap3A_364, %swap3A_365], %broadcast_in_dim3A_3 {strides = array<i32>} : memref<64x16xf32, #tpu.memory_space<vmem>>, vector<16xf32>,
    %swap3A_367 = arith.constant 45 : i32
    %swap3A_368 = arith.index_cast %swap3A_367 : i32 to index
    %swap3A_369 = arith.constant 0 : index
    %swap3A_370 = tpu.vector_load %arg19[%swap3A_368, %swap3A_369] {strides = array<i32>} : memref<64x16xf32, #tpu.memory_space<vmem>>, vector<16xf32>,
    tpu.vector_store %arg19[%swap3A_368, %swap3A_369], %broadcast_in_dim3A_3 {strides = array<i32>} : memref<64x16xf32, #tpu.memory_space<vmem>>, vector<16xf32>,
    %swap3A_371 = arith.constant 46 : i32
    %swap3A_372 = arith.index_cast %swap3A_371 : i32 to index
    %swap3A_373 = arith.constant 0 : index
    %swap3A_374 = tpu.vector_load %arg18[%swap3A_372, %swap3A_373] {strides = array<i32>} : memref<64x16xf32, #tpu.memory_space<vmem>>, vector<16xf32>,
    tpu.vector_store %arg18[%swap3A_372, %swap3A_373], %broadcast_in_dim3A_3 {strides = array<i32>} : memref<64x16xf32, #tpu.memory_space<vmem>>, vector<16xf32>,
    %swap3A_375 = arith.constant 46 : i32
    %swap3A_376 = arith.index_cast %swap3A_375 : i32 to index
    %swap3A_377 = arith.constant 0 : index
    %swap3A_378 = tpu.vector_load %arg19[%swap3A_376, %swap3A_377] {strides = array<i32>} : memref<64x16xf32, #tpu.memory_space<vmem>>, vector<16xf32>,
    tpu.vector_store %arg19[%swap3A_376, %swap3A_377], %broadcast_in_dim3A_3 {strides = array<i32>} : memref<64x16xf32, #tpu.memory_space<vmem>>, vector<16xf32>,
    %swap3A_379 = arith.constant 47 : i32
    %swap3A_380 = arith.index_cast %swap3A_379 : i32 to index
    %swap3A_381 = arith.constant 0 : index
    %swap3A_382 = tpu.vector_load %arg18[%swap3A_380, %swap3A_381] {strides = array<i32>} : memref<64x16xf32, #tpu.memory_space<vmem>>, vector<16xf32>,
    tpu.vector_store %arg18[%swap3A_380, %swap3A_381], %broadcast_in_dim3A_3 {strides = array<i32>} : memref<64x16xf32, #tpu.memory_space<vmem>>, vector<16xf32>,
    %swap3A_383 = arith.constant 47 : i32
    %swap3A_384 = arith.index_cast %swap3A_383 : i32 to index
    %swap3A_385 = arith.constant 0 : index
    %swap3A_386 = tpu.vector_load %arg19[%swap3A_384, %swap3A_385] {strides = array<i32>} : memref<64x16xf32, #tpu.memory_space<vmem>>, vector<16xf32>,
    tpu.vector_store %arg19[%swap3A_384, %swap3A_385], %broadcast_in_dim3A_3 {strides = array<i32>} : memref<64x16xf32, #tpu.memory_space<vmem>>, vector<16xf32>,
    %swap3A_387 = arith.constant 48 : i32
    %swap3A_388 = arith.index_cast %swap3A_387 : i32 to index
    %swap3A_389 = arith.constant 0 : index
    %swap3A_390 = tpu.vector_load %arg18[%swap3A_388, %swap3A_389] {strides = array<i32>} : memref<64x16xf32, #tpu.memory_space<vmem>>, vector<16xf32>,
    tpu.vector_store %arg18[%swap3A_388, %swap3A_389], %broadcast_in_dim3A_3 {strides = array<i32>} : memref<64x16xf32, #tpu.memory_space<vmem>>, vector<16xf32>,
    %swap3A_391 = arith.constant 48 : i32
    %swap3A_392 = arith.index_cast %swap3A_391 : i32 to index
    %swap3A_393 = arith.constant 0 : index
    %swap3A_394 = tpu.vector_load %arg19[%swap3A_392, %swap3A_393] {strides = array<i32>} : memref<64x16xf32, #tpu.memory_space<vmem>>, vector<16xf32>,
    tpu.vector_store %arg19[%swap3A_392, %swap3A_393], %broadcast_in_dim3A_3 {strides = array<i32>} : memref<64x16xf32, #tpu.memory_space<vmem>>, vector<16xf32>,
    %swap3A_395 = arith.constant 49 : i32
    %swap3A_396 = arith.index_cast %swap3A_395 : i32 to index
    %swap3A_397 = arith.constant 0 : index
    %swap3A_398 = tpu.vector_load %arg18[%swap3A_396, %swap3A_397] {strides = array<i32>} : memref<64x16xf32, #tpu.memory_space<vmem>>, vector<16xf32>,
    tpu.vector_store %arg18[%swap3A_396, %swap3A_397], %broadcast_in_dim3A_3 {strides = array<i32>} : memref<64x16xf32, #tpu.memory_space<vmem>>, vector<16xf32>,
    %swap3A_399 = arith.constant 49 : i32
    %swap3A_400 = arith.index_cast %swap3A_399 : i32 to index
    %swap3A_401 = arith.constant 0 : index
    %swap3A_402 = tpu.vector_load %arg19[%swap3A_400, %swap3A_401] {strides = array<i32>} : memref<64x16xf32, #tpu.memory_space<vmem>>, vector<16xf32>,
    tpu.vector_store %arg19[%swap3A_400, %swap3A_401], %broadcast_in_dim3A_3 {strides = array<i32>} : memref<64x16xf32, #tpu.memory_space<vmem>>, vector<16xf32>,
    %swap3A_403 = arith.constant 50 : i32
    %swap3A_404 = arith.index_cast %swap3A_403 : i32 to index
    %swap3A_405 = arith.constant 0 : index
    %swap3A_406 = tpu.vector_load %arg18[%swap3A_404, %swap3A_405] {strides = array<i32>} : memref<64x16xf32, #tpu.memory_space<vmem>>, vector<16xf32>,
    tpu.vector_store %arg18[%swap3A_404, %swap3A_405], %broadcast_in_dim3A_3 {strides = array<i32>} : memref<64x16xf32, #tpu.memory_space<vmem>>, vector<16xf32>,
    %swap3A_407 = arith.constant 50 : i32
    %swap3A_408 = arith.index_cast %swap3A_407 : i32 to index
    %swap3A_409 = arith.constant 0 : index
    %swap3A_410 = tpu.vector_load %arg19[%swap3A_408, %swap3A_409] {strides = array<i32>} : memref<64x16xf32, #tpu.memory_space<vmem>>, vector<16xf32>,
    tpu.vector_store %arg19[%swap3A_408, %swap3A_409], %broadcast_in_dim3A_3 {strides = array<i32>} : memref<64x16xf32, #tpu.memory_space<vmem>>, vector<16xf32>,
    %swap3A_411 = arith.constant 51 : i32
    %swap3A_412 = arith.index_cast %swap3A_411 : i32 to index
    %swap3A_413 = arith.constant 0 : index
    %swap3A_414 = tpu.vector_load %arg18[%swap3A_412, %swap3A_413] {strides = array<i32>} : memref<64x16xf32, #tpu.memory_space<vmem>>, vector<16xf32>,
    tpu.vector_store %arg18[%swap3A_412, %swap3A_413], %broadcast_in_dim3A_3 {strides = array<i32>} : memref<64x16xf32, #tpu.memory_space<vmem>>, vector<16xf32>,
    %swap3A_415 = arith.constant 51 : i32
    %swap3A_416 = arith.index_cast %swap3A_415 : i32 to index
    %swap3A_417 = arith.constant 0 : index
    %swap3A_418 = tpu.vector_load %arg19[%swap3A_416, %swap3A_417] {strides = array<i32>} : memref<64x16xf32, #tpu.memory_space<vmem>>, vector<16xf32>,
    tpu.vector_store %arg19[%swap3A_416, %swap3A_417], %broadcast_in_dim3A_3 {strides = array<i32>} : memref<64x16xf32, #tpu.memory_space<vmem>>, vector<16xf32>,
    %swap3A_419 = arith.constant 52 : i32
    %swap3A_420 = arith.index_cast %swap3A_419 : i32 to index
    %swap3A_421 = arith.constant 0 : index
    %swap3A_422 = tpu.vector_load %arg18[%swap3A_420, %swap3A_421] {strides = array<i32>} : memref<64x16xf32, #tpu.memory_space<vmem>>, vector<16xf32>,
    tpu.vector_store %arg18[%swap3A_420, %swap3A_421], %broadcast_in_dim3A_3 {strides = array<i32>} : memref<64x16xf32, #tpu.memory_space<vmem>>, vector<16xf32>,
    %swap3A_423 = arith.constant 52 : i32
    %swap3A_424 = arith.index_cast %swap3A_423 : i32 to index
    %swap3A_425 = arith.constant 0 : index
    %swap3A_426 = tpu.vector_load %arg19[%swap3A_424, %swap3A_425] {strides = array<i32>} : memref<64x16xf32, #tpu.memory_space<vmem>>, vector<16xf32>,
    tpu.vector_store %arg19[%swap3A_424, %swap3A_425], %broadcast_in_dim3A_3 {strides = array<i32>} : memref<64x16xf32, #tpu.memory_space<vmem>>, vector<16xf32>,
    %swap3A_427 = arith.constant 53 : i32
    %swap3A_428 = arith.index_cast %swap3A_427 : i32 to index
    %swap3A_429 = arith.constant 0 : index
    %swap3A_430 = tpu.vector_load %arg18[%swap3A_428, %swap3A_429] {strides = array<i32>} : memref<64x16xf32, #tpu.memory_space<vmem>>, vector<16xf32>,
    tpu.vector_store %arg18[%swap3A_428, %swap3A_429], %broadcast_in_dim3A_3 {strides = array<i32>} : memref<64x16xf32, #tpu.memory_space<vmem>>, vector<16xf32>,
    %swap3A_431 = arith.constant 53 : i32
    %swap3A_432 = arith.index_cast %swap3A_431 : i32 to index
    %swap3A_433 = arith.constant 0 : index
    %swap3A_434 = tpu.vector_load %arg19[%swap3A_432, %swap3A_433] {strides = array<i32>} : memref<64x16xf32, #tpu.memory_space<vmem>>, vector<16xf32>,
    tpu.vector_store %arg19[%swap3A_432, %swap3A_433], %broadcast_in_dim3A_3 {strides = array<i32>} : memref<64x16xf32, #tpu.memory_space<vmem>>, vector<16xf32>,
    %swap3A_435 = arith.constant 54 : i32
    %swap3A_436 = arith.index_cast %swap3A_435 : i32 to index
    %swap3A_437 = arith.constant 0 : index
    %swap3A_438 = tpu.vector_load %arg18[%swap3A_436, %swap3A_437] {strides = array<i32>} : memref<64x16xf32, #tpu.memory_space<vmem>>, vector<16xf32>,
    tpu.vector_store %arg18[%swap3A_436, %swap3A_437], %broadcast_in_dim3A_3 {strides = array<i32>} : memref<64x16xf32, #tpu.memory_space<vmem>>, vector<16xf32>,
    %swap3A_439 = arith.constant 54 : i32
    %swap3A_440 = arith.index_cast %swap3A_439 : i32 to index
    %swap3A_441 = arith.constant 0 : index
    %swap3A_442 = tpu.vector_load %arg19[%swap3A_440, %swap3A_441] {strides = array<i32>} : memref<64x16xf32, #tpu.memory_space<vmem>>, vector<16xf32>,
    tpu.vector_store %arg19[%swap3A_440, %swap3A_441], %broadcast_in_dim3A_3 {strides = array<i32>} : memref<64x16xf32, #tpu.memory_space<vmem>>, vector<16xf32>,
    %swap3A_443 = arith.constant 55 : i32
    %swap3A_444 = arith.index_cast %swap3A_443 : i32 to index
    %swap3A_445 = arith.constant 0 : index
    %swap3A_446 = tpu.vector_load %arg18[%swap3A_444, %swap3A_445] {strides = array<i32>} : memref<64x16xf32, #tpu.memory_space<vmem>>, vector<16xf32>,
    tpu.vector_store %arg18[%swap3A_444, %swap3A_445], %broadcast_in_dim3A_3 {strides = array<i32>} : memref<64x16xf32, #tpu.memory_space<vmem>>, vector<16xf32>,
    %swap3A_447 = arith.constant 55 : i32
    %swap3A_448 = arith.index_cast %swap3A_447 : i32 to index
    %swap3A_449 = arith.constant 0 : index
    %swap3A_450 = tpu.vector_load %arg19[%swap3A_448, %swap3A_449] {strides = array<i32>} : memref<64x16xf32, #tpu.memory_space<vmem>>, vector<16xf32>,
    tpu.vector_store %arg19[%swap3A_448, %swap3A_449], %broadcast_in_dim3A_3 {strides = array<i32>} : memref<64x16xf32, #tpu.memory_space<vmem>>, vector<16xf32>,
    %swap3A_451 = arith.constant 56 : i32
    %swap3A_452 = arith.index_cast %swap3A_451 : i32 to index
    %swap3A_453 = arith.constant 0 : index
    %swap3A_454 = tpu.vector_load %arg18[%swap3A_452, %swap3A_453] {strides = array<i32>} : memref<64x16xf32, #tpu.memory_space<vmem>>, vector<16xf32>,
    tpu.vector_store %arg18[%swap3A_452, %swap3A_453], %broadcast_in_dim3A_3 {strides = array<i32>} : memref<64x16xf32, #tpu.memory_space<vmem>>, vector<16xf32>,
    %swap3A_455 = arith.constant 56 : i32
    %swap3A_456 = arith.index_cast %swap3A_455 : i32 to index
    %swap3A_457 = arith.constant 0 : index
    %swap3A_458 = tpu.vector_load %arg19[%swap3A_456, %swap3A_457] {strides = array<i32>} : memref<64x16xf32, #tpu.memory_space<vmem>>, vector<16xf32>,
    tpu.vector_store %arg19[%swap3A_456, %swap3A_457], %broadcast_in_dim3A_3 {strides = array<i32>} : memref<64x16xf32, #tpu.memory_space<vmem>>, vector<16xf32>,
    %swap3A_459 = arith.constant 57 : i32
    %swap3A_460 = arith.index_cast %swap3A_459 : i32 to index
    %swap3A_461 = arith.constant 0 : index
    %swap3A_462 = tpu.vector_load %arg18[%swap3A_460, %swap3A_461] {strides = array<i32>} : memref<64x16xf32, #tpu.memory_space<vmem>>, vector<16xf32>,
    tpu.vector_store %arg18[%swap3A_460, %swap3A_461], %broadcast_in_dim3A_3 {strides = array<i32>} : memref<64x16xf32, #tpu.memory_space<vmem>>, vector<16xf32>,
    %swap3A_463 = arith.constant 57 : i32
    %swap3A_464 = arith.index_cast %swap3A_463 : i32 to index
    %swap3A_465 = arith.constant 0 : index
    %swap3A_466 = tpu.vector_load %arg19[%swap3A_464, %swap3A_465] {strides = array<i32>} : memref<64x16xf32, #tpu.memory_space<vmem>>, vector<16xf32>,
    tpu.vector_store %arg19[%swap3A_464, %swap3A_465], %broadcast_in_dim3A_3 {strides = array<i32>} : memref<64x16xf32, #tpu.memory_space<vmem>>, vector<16xf32>,
    %swap3A_467 = arith.constant 58 : i32
    %swap3A_468 = arith.index_cast %swap3A_467 : i32 to index
    %swap3A_469 = arith.constant 0 : index
    %swap3A_470 = tpu.vector_load %arg18[%swap3A_468, %swap3A_469] {strides = array<i32>} : memref<64x16xf32, #tpu.memory_space<vmem>>, vector<16xf32>,
    tpu.vector_store %arg18[%swap3A_468, %swap3A_469], %broadcast_in_dim3A_3 {strides = array<i32>} : memref<64x16xf32, #tpu.memory_space<vmem>>, vector<16xf32>,
    %swap3A_471 = arith.constant 58 : i32
    %swap3A_472 = arith.index_cast %swap3A_471 : i32 to index
    %swap3A_473 = arith.constant 0 : index
    %swap3A_474 = tpu.vector_load %arg19[%swap3A_472, %swap3A_473] {strides = array<i32>} : memref<64x16xf32, #tpu.memory_space<vmem>>, vector<16xf32>,
    tpu.vector_store %arg19[%swap3A_472, %swap3A_473], %broadcast_in_dim3A_3 {strides = array<i32>} : memref<64x16xf32, #tpu.memory_space<vmem>>, vector<16xf32>,
    %swap3A_475 = arith.constant 59 : i32
    %swap3A_476 = arith.index_cast %swap3A_475 : i32 to index
    %swap3A_477 = arith.constant 0 : index
    %swap3A_478 = tpu.vector_load %arg18[%swap3A_476, %swap3A_477] {strides = array<i32>} : memref<64x16xf32, #tpu.memory_space<vmem>>, vector<16xf32>,
    tpu.vector_store %arg18[%swap3A_476, %swap3A_477], %broadcast_in_dim3A_3 {strides = array<i32>} : memref<64x16xf32, #tpu.memory_space<vmem>>, vector<16xf32>,
    %swap3A_479 = arith.constant 59 : i32
    %swap3A_480 = arith.index_cast %swap3A_479 : i32 to index
    %swap3A_481 = arith.constant 0 : index
    %swap3A_482 = tpu.vector_load %arg19[%swap3A_480, %swap3A_481] {strides = array<i32>} : memref<64x16xf32, #tpu.memory_space<vmem>>, vector<16xf32>,
    tpu.vector_store %arg19[%swap3A_480, %swap3A_481], %broadcast_in_dim3A_3 {strides = array<i32>} : memref<64x16xf32, #tpu.memory_space<vmem>>, vector<16xf32>,
    %swap3A_483 = arith.constant 60 : i32
    %swap3A_484 = arith.index_cast %swap3A_483 : i32 to index
    %swap3A_485 = arith.constant 0 : index
    %swap3A_486 = tpu.vector_load %arg18[%swap3A_484, %swap3A_485] {strides = array<i32>} : memref<64x16xf32, #tpu.memory_space<vmem>>, vector<16xf32>,
    tpu.vector_store %arg18[%swap3A_484, %swap3A_485], %broadcast_in_dim3A_3 {strides = array<i32>} : memref<64x16xf32, #tpu.memory_space<vmem>>, vector<16xf32>,
    %swap3A_487 = arith.constant 60 : i32
    %swap3A_488 = arith.index_cast %swap3A_487 : i32 to index
    %swap3A_489 = arith.constant 0 : index
    %swap3A_490 = tpu.vector_load %arg19[%swap3A_488, %swap3A_489] {strides = array<i32>} : memref<64x16xf32, #tpu.memory_space<vmem>>, vector<16xf32>,
    tpu.vector_store %arg19[%swap3A_488, %swap3A_489], %broadcast_in_dim3A_3 {strides = array<i32>} : memref<64x16xf32, #tpu.memory_space<vmem>>, vector<16xf32>,
    %swap3A_491 = arith.constant 61 : i32
    %swap3A_492 = arith.index_cast %swap3A_491 : i32 to index
    %swap3A_493 = arith.constant 0 : index
    %swap3A_494 = tpu.vector_load %arg18[%swap3A_492, %swap3A_493] {strides = array<i32>} : memref<64x16xf32, #tpu.memory_space<vmem>>, vector<16xf32>,
    tpu.vector_store %arg18[%swap3A_492, %swap3A_493], %broadcast_in_dim3A_3 {strides = array<i32>} : memref<64x16xf32, #tpu.memory_space<vmem>>, vector<16xf32>,
    %swap3A_495 = arith.constant 61 : i32
    %swap3A_496 = arith.index_cast %swap3A_495 : i32 to index
    %swap3A_497 = arith.constant 0 : index
    %swap3A_498 = tpu.vector_load %arg19[%swap3A_496, %swap3A_497] {strides = array<i32>} : memref<64x16xf32, #tpu.memory_space<vmem>>, vector<16xf32>,
    tpu.vector_store %arg19[%swap3A_496, %swap3A_497], %broadcast_in_dim3A_3 {strides = array<i32>} : memref<64x16xf32, #tpu.memory_space<vmem>>, vector<16xf32>,
    %swap3A_499 = arith.constant 62 : i32
    %swap3A_500 = arith.index_cast %swap3A_499 : i32 to index
    %swap3A_501 = arith.constant 0 : index
    %swap3A_502 = tpu.vector_load %arg18[%swap3A_500, %swap3A_501] {strides = array<i32>} : memref<64x16xf32, #tpu.memory_space<vmem>>, vector<16xf32>,
    tpu.vector_store %arg18[%swap3A_500, %swap3A_501], %broadcast_in_dim3A_3 {strides = array<i32>} : memref<64x16xf32, #tpu.memory_space<vmem>>, vector<16xf32>,
    %swap3A_503 = arith.constant 62 : i32
    %swap3A_504 = arith.index_cast %swap3A_503 : i32 to index
    %swap3A_505 = arith.constant 0 : index
    %swap3A_506 = tpu.vector_load %arg19[%swap3A_504, %swap3A_505] {strides = array<i32>} : memref<64x16xf32, #tpu.memory_space<vmem>>, vector<16xf32>,
    tpu.vector_store %arg19[%swap3A_504, %swap3A_505], %broadcast_in_dim3A_3 {strides = array<i32>} : memref<64x16xf32, #tpu.memory_space<vmem>>, vector<16xf32>,
    %swap3A_507 = arith.constant 63 : i32
    %swap3A_508 = arith.index_cast %swap3A_507 : i32 to index
    %swap3A_509 = arith.constant 0 : index
    %swap3A_510 = tpu.vector_load %arg18[%swap3A_508, %swap3A_509] {strides = array<i32>} : memref<64x16xf32, #tpu.memory_space<vmem>>, vector<16xf32>,
    tpu.vector_store %arg18[%swap3A_508, %swap3A_509], %broadcast_in_dim3A_3 {strides = array<i32>} : memref<64x16xf32, #tpu.memory_space<vmem>>, vector<16xf32>,
    %swap3A_511 = arith.constant 63 : i32
    %swap3A_512 = arith.index_cast %swap3A_511 : i32 to index
    %swap3A_513 = arith.constant 0 : index
    %swap3A_514 = tpu.vector_load %arg19[%swap3A_512, %swap3A_513] {strides = array<i32>} : memref<64x16xf32, #tpu.memory_space<vmem>>, vector<16xf32>,
    tpu.vector_store %arg19[%swap3A_512, %swap3A_513], %broadcast_in_dim3A_3 {strides = array<i32>} : memref<64x16xf32, #tpu.memory_space<vmem>>, vector<16xf32>,
    %iota3A = tpu.iota {dimensions = array<i32: 0>} : vector<16xi32>
    %swap3A_515 = arith.constant 0 : index
    %swap3A_516 = tpu.vector_load %arg20[%swap3A_515] {strides = array<i32>} : memref<16xi32, #tpu.memory_space<vmem>>, vector<16xi32>,
    tpu.vector_store %arg20[%swap3A_515], %iota3A {strides = array<i32>} : memref<16xi32, #tpu.memory_space<vmem>>, vector<16xi32>,
    %get3A = arith.constant 0 : index
    %get3A_517 = tpu.vector_load %arg20[%get3A] {strides = array<i32>} : memref<16xi32, #tpu.memory_space<vmem>>, vector<16xi32>,
    %scan3A = arith.constant 0 : i32
    %scan3A_518 = arith.constant 20 : i32
    %scan3A_519 = arith.addi %scan3A, %scan3A_518 : i32
    %scan3A_520 = arith.constant 1 : i32
    scf.for %scan3A_527 = %scan3A to %scan3A_519 step %scan3A_520  : i32 {
      %mul3A_528 = arith.constant 16 : i32
      %mul3A_529 = arith.muli %scan3A_527, %mul3A_528 : i32
      %broadcast_in_dim3A_530 = vector.broadcast %mul3A_2 : i32 to vector<16xi32>
      %mul3A_531 = arith.constant 16 : i32
      %mul3A_532 = arith.muli %scan3A_527, %mul3A_531 : i32
      %add3A_533 = vector.broadcast %mul3A_532 : i32 to vector<16xi32>
      %add3A_534 = arith.addi %broadcast_in_dim3A_530, %add3A_533 : vector<16xi32>
      %add3A_535 = arith.addi %add3A_534, %get3A_517 : vector<16xi32>
      %gather3A = tpu.vector_load_idx %arg12[%add3A_535] : memref<10240xi32, #tpu.memory_space<vmem>>[vector<16xi32>], vector<16xi32>,
      %get3A_536 = arith.index_cast %mul3A_529 : i32 to index
      %get3A_537 = tpu.vector_load %arg13[%get3A_536] {strides = array<i32>} : memref<320xf32, #tpu.memory_space<vmem>>, vector<16xf32>,
      %get3A_538 = arith.index_cast %mul3A_529 : i32 to index
      %get3A_539 = tpu.vector_load %arg14[%get3A_538] {strides = array<i32>} : memref<320xf32, #tpu.memory_space<vmem>>, vector<16xf32>,
      %mul3A_540 = arith.mulf %get3A_537, %get3A_539 : vector<16xf32>
      tpu.vector_store_idx %arg18[%gather3A, %get3A_517], %mul3A_540 {add = true} : memref<64x16xf32, #tpu.memory_space<vmem>>[vector<16xi32>, vector<16xi32>], vector<16xf32>,
      %get3A_541 = arith.index_cast %mul3A_529 : i32 to index
      %get3A_542 = tpu.vector_load %arg14[%get3A_541] {strides = array<i32>} : memref<320xf32, #tpu.memory_space<vmem>>, vector<16xf32>,
      tpu.vector_store_idx %arg19[%gather3A, %get3A_517], %get3A_542 {add = true} : memref<64x16xf32, #tpu.memory_space<vmem>>[vector<16xi32>, vector<16xi32>], vector<16xf32>,
    }
    %scan3A_521 = arith.constant 20 : i32
    %scan3A_522 = arith.constant 0 : i32
    %scan3A_523 = arith.constant 10 : i32
    %scan3A_524 = arith.addi %scan3A_522, %scan3A_523 : i32
    %scan3A_525 = arith.constant 1 : i32
    scf.for %scan3A_527 = %scan3A_522 to %scan3A_524 step %scan3A_525  : i32 {
      %mul3A_528 = arith.constant 10240 : i32
      %mul3A_529 = arith.muli %add3A, %mul3A_528 : i32
      %mul3A_530 = arith.constant 1024 : i32
      %mul3A_531 = arith.muli %scan3A_527, %mul3A_530 : i32
      %add3A_532 = arith.addi %mul3A_529, %mul3A_531 : i32
      "tpu.region"() ({
        %run_scoped3A = tpu.sem_alloc : memref<!tpu.dma_semaphore, #tpu.memory_space<semaphore_mem>>
        %dma_start3A = tpu.memref_slice %arg6[%add3A_532] : memref<327680xi32, #tpu.memory_space<hbm>> -> memref<1024xi32, #tpu.memory_space<hbm>>
        %dma_start3A_538 = tpu.memref_slice %arg6[%add3A_532] : memref<327680xi32, #tpu.memory_space<hbm>> -> memref<1024xi32, #tpu.memory_space<hbm>>
        tpu.enqueue_dma source(%dma_start3A_538 : memref<1024xi32, #tpu.memory_space<hbm>>) target(%arg15 : memref<1024xi32, #tpu.memory_space<vmem>>) target_semaphore(%run_scoped3A : memref<!tpu.dma_semaphore, #tpu.memory_space<semaphore_mem>>)
        %dma_wait3A = tpu.memref_slice %arg6[%add3A_532] : memref<327680xi32, #tpu.memory_space<hbm>> -> memref<1024xi32, #tpu.memory_space<hbm>>
        %dma_wait3A_539 = tpu.memref_slice %arg6[%add3A_532] : memref<327680xi32, #tpu.memory_space<hbm>> -> memref<1024xi32, #tpu.memory_space<hbm>>
        tpu.wait_dma2 semaphore(%run_scoped3A : memref<!tpu.dma_semaphore, #tpu.memory_space<semaphore_mem>>) src(%dma_wait3A_539 : memref<1024xi32, #tpu.memory_space<hbm>>) dst(%arg15 : memref<1024xi32, #tpu.memory_space<vmem>>)
        tpu.yield
      }) : () -> ()
      "tpu.region"() ({
        %run_scoped3A = tpu.sem_alloc : memref<!tpu.dma_semaphore, #tpu.memory_space<semaphore_mem>>
        %dma_start3A = tpu.memref_slice %arg7[%add3A_532] : memref<327680xi32, #tpu.memory_space<hbm>> -> memref<1024xi32, #tpu.memory_space<hbm>>
        %dma_start3A_538 = tpu.memref_slice %arg7[%add3A_532] : memref<327680xi32, #tpu.memory_space<hbm>> -> memref<1024xi32, #tpu.memory_space<hbm>>
        tpu.enqueue_dma source(%dma_start3A_538 : memref<1024xi32, #tpu.memory_space<hbm>>) target(%arg16 : memref<1024xi32, #tpu.memory_space<vmem>>) target_semaphore(%run_scoped3A : memref<!tpu.dma_semaphore, #tpu.memory_space<semaphore_mem>>)
        %dma_wait3A = tpu.memref_slice %arg7[%add3A_532] : memref<327680xi32, #tpu.memory_space<hbm>> -> memref<1024xi32, #tpu.memory_space<hbm>>
        %dma_wait3A_539 = tpu.memref_slice %arg7[%add3A_532] : memref<327680xi32, #tpu.memory_space<hbm>> -> memref<1024xi32, #tpu.memory_space<hbm>>
        tpu.wait_dma2 semaphore(%run_scoped3A : memref<!tpu.dma_semaphore, #tpu.memory_space<semaphore_mem>>) src(%dma_wait3A_539 : memref<1024xi32, #tpu.memory_space<hbm>>) dst(%arg16 : memref<1024xi32, #tpu.memory_space<vmem>>)
        tpu.yield
      }) : () -> ()
      "tpu.region"() ({
        %run_scoped3A = tpu.sem_alloc : memref<!tpu.dma_semaphore, #tpu.memory_space<semaphore_mem>>
        %dma_start3A = tpu.memref_slice %arg8[%add3A_532] : memref<327680xf32, #tpu.memory_space<hbm>> -> memref<1024xf32, #tpu.memory_space<hbm>>
        %dma_start3A_538 = tpu.memref_slice %arg8[%add3A_532] : memref<327680xf32, #tpu.memory_space<hbm>> -> memref<1024xf32, #tpu.memory_space<hbm>>
        tpu.enqueue_dma source(%dma_start3A_538 : memref<1024xf32, #tpu.memory_space<hbm>>) target(%arg17 : memref<1024xf32, #tpu.memory_space<vmem>>) target_semaphore(%run_scoped3A : memref<!tpu.dma_semaphore, #tpu.memory_space<semaphore_mem>>)
        %dma_wait3A = tpu.memref_slice %arg8[%add3A_532] : memref<327680xf32, #tpu.memory_space<hbm>> -> memref<1024xf32, #tpu.memory_space<hbm>>
        %dma_wait3A_539 = tpu.memref_slice %arg8[%add3A_532] : memref<327680xf32, #tpu.memory_space<hbm>> -> memref<1024xf32, #tpu.memory_space<hbm>>
        tpu.wait_dma2 semaphore(%run_scoped3A : memref<!tpu.dma_semaphore, #tpu.memory_space<semaphore_mem>>) src(%dma_wait3A_539 : memref<1024xf32, #tpu.memory_space<hbm>>) dst(%arg17 : memref<1024xf32, #tpu.memory_space<vmem>>)
        tpu.yield
      }) : () -> ()
      %scan3A_533 = arith.constant 0 : i32
      %scan3A_534 = arith.constant 64 : i32
      %scan3A_535 = arith.addi %scan3A_533, %scan3A_534 : i32
      %scan3A_536 = arith.constant 2 : i32
      scf.for %scan3A_538 = %scan3A_533 to %scan3A_535 step %scan3A_536  : i32 {
        %mul3A_539 = arith.constant 16 : i32
        %mul3A_540 = arith.muli %scan3A_538, %mul3A_539 : i32
        %get3A_541 = arith.index_cast %mul3A_540 : i32 to index
        %get3A_542 = tpu.vector_load %arg15[%get3A_541] {strides = array<i32>} : memref<1024xi32, #tpu.memory_space<vmem>>, vector<16xi32>,
        %gather3A = tpu.vector_load_idx %arg11[%get3A_542] : memref<10240xf32, #tpu.memory_space<vmem>>[vector<16xi32>], vector<16xf32>,
        %get3A_543 = arith.index_cast %mul3A_540 : i32 to index
        %get3A_544 = tpu.vector_load %arg16[%get3A_543] {strides = array<i32>} : memref<1024xi32, #tpu.memory_space<vmem>>, vector<16xi32>,
        %gather3A_545 = tpu.vector_load_idx %arg12[%get3A_544] : memref<10240xi32, #tpu.memory_space<vmem>>[vector<16xi32>], vector<16xi32>,
        %get3A_546 = arith.index_cast %mul3A_540 : i32 to index
        %get3A_547 = tpu.vector_load %arg17[%get3A_546] {strides = array<i32>} : memref<1024xf32, #tpu.memory_space<vmem>>, vector<16xf32>,
        %mul3A_548 = arith.mulf %get3A_547, %gather3A : vector<16xf32>
        tpu.vector_store_idx %arg18[%gather3A_545, %get3A_517], %mul3A_548 {add = true} : memref<64x16xf32, #tpu.memory_space<vmem>>[vector<16xi32>, vector<16xi32>], vector<16xf32>,
        %scan3A_549 = arith.constant 1 : i32
        %scan3A_550 = arith.addi %scan3A_538, %scan3A_549 : i32
        %mul3A_551 = arith.constant 16 : i32
        %mul3A_552 = arith.muli %scan3A_550, %mul3A_551 : i32
        %get3A_553 = arith.index_cast %mul3A_552 : i32 to index
        %get3A_554 = tpu.vector_load %arg15[%get3A_553] {strides = array<i32>} : memref<1024xi32, #tpu.memory_space<vmem>>, vector<16xi32>,
        %gather3A_555 = tpu.vector_load_idx %arg11[%get3A_554] : memref<10240xf32, #tpu.memory_space<vmem>>[vector<16xi32>], vector<16xf32>,
        %get3A_556 = arith.index_cast %mul3A_552 : i32 to index
        %get3A_557 = tpu.vector_load %arg16[%get3A_556] {strides = array<i32>} : memref<1024xi32, #tpu.memory_space<vmem>>, vector<16xi32>,
        %gather3A_558 = tpu.vector_load_idx %arg12[%get3A_557] : memref<10240xi32, #tpu.memory_space<vmem>>[vector<16xi32>], vector<16xi32>,
        %get3A_559 = arith.index_cast %mul3A_552 : i32 to index
        %get3A_560 = tpu.vector_load %arg17[%get3A_559] {strides = array<i32>} : memref<1024xf32, #tpu.memory_space<vmem>>, vector<16xf32>,
        %mul3A_561 = arith.mulf %get3A_560, %gather3A_555 : vector<16xf32>
        tpu.vector_store_idx %arg18[%gather3A_558, %get3A_517], %mul3A_561 {add = true} : memref<64x16xf32, #tpu.memory_space<vmem>>[vector<16xi32>, vector<16xi32>], vector<16xf32>,
      }
      %scan3A_537 = arith.constant 64 : i32
    }
    %scan3A_526 = arith.constant 10 : i32
    "tpu.region"() ({
      %run_scoped3A = tpu.sem_alloc : memref<!tpu.dma_semaphore, #tpu.memory_space<semaphore_mem>>
      %dma_start3A = arith.constant 0 : i32
      %dma_start3A_527 = arith.constant 0 : i32
      %dma_start3A_528 = tpu.memref_slice %arg9[%add3A, %dma_start3A, %dma_start3A_527] : memref<32x64x16xf32, #tpu.memory_space<hbm>> -> memref<1x64x16xf32, #tpu.memory_space<hbm>>
      %dma_start3A_529 = tpu.memref_squeeze %dma_start3A_528 : memref<1x64x16xf32, #tpu.memory_space<hbm>> -> memref<64x16xf32, #tpu.memory_space<hbm>>
      %dma_start3A_530 = arith.constant 0 : i32
      %dma_start3A_531 = arith.constant 0 : i32
      %dma_start3A_532 = tpu.memref_slice %arg9[%add3A, %dma_start3A_530, %dma_start3A_531] : memref<32x64x16xf32, #tpu.memory_space<hbm>> -> memref<1x64x16xf32, #tpu.memory_space<hbm>>
      %dma_start3A_533 = tpu.memref_squeeze %dma_start3A_532 : memref<1x64x16xf32, #tpu.memory_space<hbm>> -> memref<64x16xf32, #tpu.memory_space<hbm>>
      tpu.enqueue_dma source(%arg18 : memref<64x16xf32, #tpu.memory_space<vmem>>) target(%dma_start3A_533 : memref<64x16xf32, #tpu.memory_space<hbm>>) target_semaphore(%run_scoped3A : memref<!tpu.dma_semaphore, #tpu.memory_space<semaphore_mem>>)
      %dma_wait3A = arith.constant 0 : i32
      %dma_wait3A_534 = arith.constant 0 : i32
      %dma_wait3A_535 = tpu.memref_slice %arg9[%add3A, %dma_wait3A, %dma_wait3A_534] : memref<32x64x16xf32, #tpu.memory_space<hbm>> -> memref<1x64x16xf32, #tpu.memory_space<hbm>>
      %dma_wait3A_536 = tpu.memref_squeeze %dma_wait3A_535 : memref<1x64x16xf32, #tpu.memory_space<hbm>> -> memref<64x16xf32, #tpu.memory_space<hbm>>
      %dma_wait3A_537 = arith.constant 0 : i32
      %dma_wait3A_538 = arith.constant 0 : i32
      %dma_wait3A_539 = tpu.memref_slice %arg9[%add3A, %dma_wait3A_537, %dma_wait3A_538] : memref<32x64x16xf32, #tpu.memory_space<hbm>> -> memref<1x64x16xf32, #tpu.memory_space<hbm>>
      %dma_wait3A_540 = tpu.memref_squeeze %dma_wait3A_539 : memref<1x64x16xf32, #tpu.memory_space<hbm>> -> memref<64x16xf32, #tpu.memory_space<hbm>>
      tpu.wait_dma2 semaphore(%run_scoped3A : memref<!tpu.dma_semaphore, #tpu.memory_space<semaphore_mem>>) src(%arg18 : memref<64x16xf32, #tpu.memory_space<vmem>>) dst(%dma_wait3A_540 : memref<64x16xf32, #tpu.memory_space<hbm>>)
      tpu.yield
    }) : () -> ()
    "tpu.region"() ({
      %run_scoped3A = tpu.sem_alloc : memref<!tpu.dma_semaphore, #tpu.memory_space<semaphore_mem>>
      %dma_start3A = arith.constant 0 : i32
      %dma_start3A_527 = arith.constant 0 : i32
      %dma_start3A_528 = tpu.memref_slice %arg10[%add3A, %dma_start3A, %dma_start3A_527] : memref<32x64x16xf32, #tpu.memory_space<hbm>> -> memref<1x64x16xf32, #tpu.memory_space<hbm>>
      %dma_start3A_529 = tpu.memref_squeeze %dma_start3A_528 : memref<1x64x16xf32, #tpu.memory_space<hbm>> -> memref<64x16xf32, #tpu.memory_space<hbm>>
      %dma_start3A_530 = arith.constant 0 : i32
      %dma_start3A_531 = arith.constant 0 : i32
      %dma_start3A_532 = tpu.memref_slice %arg10[%add3A, %dma_start3A_530, %dma_start3A_531] : memref<32x64x16xf32, #tpu.memory_space<hbm>> -> memref<1x64x16xf32, #tpu.memory_space<hbm>>
      %dma_start3A_533 = tpu.memref_squeeze %dma_start3A_532 : memref<1x64x16xf32, #tpu.memory_space<hbm>> -> memref<64x16xf32, #tpu.memory_space<hbm>>
      tpu.enqueue_dma source(%arg19 : memref<64x16xf32, #tpu.memory_space<vmem>>) target(%dma_start3A_533 : memref<64x16xf32, #tpu.memory_space<hbm>>) target_semaphore(%run_scoped3A : memref<!tpu.dma_semaphore, #tpu.memory_space<semaphore_mem>>)
      %dma_wait3A = arith.constant 0 : i32
      %dma_wait3A_534 = arith.constant 0 : i32
      %dma_wait3A_535 = tpu.memref_slice %arg10[%add3A, %dma_wait3A, %dma_wait3A_534] : memref<32x64x16xf32, #tpu.memory_space<hbm>> -> memref<1x64x16xf32, #tpu.memory_space<hbm>>
      %dma_wait3A_536 = tpu.memref_squeeze %dma_wait3A_535 : memref<1x64x16xf32, #tpu.memory_space<hbm>> -> memref<64x16xf32, #tpu.memory_space<hbm>>
      %dma_wait3A_537 = arith.constant 0 : i32
      %dma_wait3A_538 = arith.constant 0 : i32
      %dma_wait3A_539 = tpu.memref_slice %arg10[%add3A, %dma_wait3A_537, %dma_wait3A_538] : memref<32x64x16xf32, #tpu.memory_space<hbm>> -> memref<1x64x16xf32, #tpu.memory_space<hbm>>
      %dma_wait3A_540 = tpu.memref_squeeze %dma_wait3A_539 : memref<1x64x16xf32, #tpu.memory_space<hbm>> -> memref<64x16xf32, #tpu.memory_space<hbm>>
      tpu.wait_dma2 semaphore(%run_scoped3A : memref<!tpu.dma_semaphore, #tpu.memory_space<semaphore_mem>>) src(%arg19 : memref<64x16xf32, #tpu.memory_space<vmem>>) dst(%dma_wait3A_540 : memref<64x16xf32, #tpu.memory_space<hbm>>)
      tpu.yield
    }) : () -> ()
    return
  }
}

#map = affine_map<(d0, d1) -> (0, 0, 0)>
#map1 = affine_map<(d0, d1) -> (0)>
#map2 = affine_map<(d0, d1) -> (0, 0)>
module attributes {stable_mosaic.version = 14 : i64} {
  func.func @_scatter_body(%arg0: i32, %arg1: i32, %arg2: memref<2x10240x64xf32, #tpu.memory_space<hbm>>, %arg3: memref<327680xi32, #tpu.memory_space<hbm>>, %arg4: memref<2560x2x128xi32, #tpu.memory_space<hbm>>, %arg5: memref<10240x64xf32, #tpu.memory_space<hbm>>, %arg6: memref<2x10240x64xf32, #tpu.memory_space<hbm>>, %arg7: memref<10240xi32, #tpu.memory_space<vmem>>, %arg8: memref<128x64xf32, #tpu.memory_space<vmem>>, %arg9: memref<128x64xf32, #tpu.memory_space<vmem>>, %arg10: memref<2x128xi32, #tpu.memory_space<vmem>>, %arg11: memref<2x128xi32, #tpu.memory_space<vmem>>, %arg12: memref<20480x64xf32, #tpu.memory_space<vmem_shared>>, %arg13: memref<!tpu.dma_semaphore, #tpu.memory_space<semaphore_mem>>, %arg14: memref<!tpu.dma_semaphore, #tpu.memory_space<semaphore_mem>>, %arg15: memref<!tpu.dma_semaphore, #tpu.memory_space<semaphore_mem>>, %arg16: memref<!tpu.dma_semaphore, #tpu.memory_space<semaphore_mem>>, %arg17: memref<!tpu.dma_semaphore, #tpu.memory_space<semaphore_mem>>, %arg18: memref<!tpu.dma_semaphore, #tpu.memory_space<semaphore_mem>>) attributes {dimension_semantics = [#tpu.dimension_semantics<core_parallel>, #tpu.dimension_semantics<subcore_parallel>], iteration_bounds = array<i64: 2, 16>, scalar_prefetch = 0 : i64, scratch_operands = 12 : i64, tpu.core_type = #tpu.core_type<sc_vector_subcore>, window_params = [{transform_indices = #map}, {transform_indices = #map1}, {transform_indices = #map}, {transform_indices = #map2}, {transform_indices = #map}]} {
    %mul3A = arith.constant 20480 : i32
    %mul3A_0 = arith.muli %arg1, %mul3A : i32
    %mul3A_1 = arith.constant 160 : i32
    %mul3A_2 = arith.muli %arg1, %mul3A_1 : i32
    %mul3A_3 = arith.constant 640 : i32
    %mul3A_4 = arith.muli %arg1, %mul3A_3 : i32
    %mul3A_5 = arith.constant 640 : i32
    %mul3A_6 = arith.muli %arg1, %mul3A_5 : i32
    %add3A = arith.constant 10240 : i32
    %add3A_7 = arith.addi %add3A, %mul3A_6 : i32
    "tpu.region"() ({
      %run_scoped3A = tpu.sem_alloc : memref<!tpu.dma_semaphore, #tpu.memory_space<semaphore_mem>>
      %dma_start3A_78 = arith.constant 0 : i32
      %dma_start3A_79 = tpu.memref_slice %arg12[%mul3A_4, %dma_start3A_78] : memref<20480x64xf32, #tpu.memory_space<vmem_shared>> -> memref<640x64xf32, #tpu.memory_space<vmem_shared>>
      %dma_start3A_80 = arith.constant 0 : i32
      %dma_start3A_81 = arith.constant 0 : i32
      %dma_start3A_82 = tpu.memref_slice %arg2[%arg0, %dma_start3A_80, %dma_start3A_81] : memref<2x10240x64xf32, #tpu.memory_space<hbm>> -> memref<1x10240x64xf32, #tpu.memory_space<hbm>>
      %dma_start3A_83 = tpu.memref_squeeze %dma_start3A_82 : memref<1x10240x64xf32, #tpu.memory_space<hbm>> -> memref<10240x64xf32, #tpu.memory_space<hbm>>
      %dma_start3A_84 = arith.constant 0 : i32
      %dma_start3A_85 = tpu.memref_slice %dma_start3A_83[%mul3A_4, %dma_start3A_84] : memref<10240x64xf32, #tpu.memory_space<hbm>> -> memref<640x64xf32, #tpu.memory_space<hbm>>
      tpu.enqueue_dma source(%dma_start3A_85 : memref<640x64xf32, #tpu.memory_space<hbm>>) target(%dma_start3A_79 : memref<640x64xf32, #tpu.memory_space<vmem_shared>>) target_semaphore(%run_scoped3A : memref<!tpu.dma_semaphore, #tpu.memory_space<semaphore_mem>>)
      %dma_wait3A_86 = arith.constant 0 : i32
      %dma_wait3A_87 = tpu.memref_slice %arg12[%mul3A_4, %dma_wait3A_86] : memref<20480x64xf32, #tpu.memory_space<vmem_shared>> -> memref<640x64xf32, #tpu.memory_space<vmem_shared>>
      %dma_wait3A_88 = arith.constant 0 : i32
      %dma_wait3A_89 = arith.constant 0 : i32
      %dma_wait3A_90 = tpu.memref_slice %arg2[%arg0, %dma_wait3A_88, %dma_wait3A_89] : memref<2x10240x64xf32, #tpu.memory_space<hbm>> -> memref<1x10240x64xf32, #tpu.memory_space<hbm>>
      %dma_wait3A_91 = tpu.memref_squeeze %dma_wait3A_90 : memref<1x10240x64xf32, #tpu.memory_space<hbm>> -> memref<10240x64xf32, #tpu.memory_space<hbm>>
      %dma_wait3A_92 = arith.constant 0 : i32
      %dma_wait3A_93 = tpu.memref_slice %dma_wait3A_91[%mul3A_4, %dma_wait3A_92] : memref<10240x64xf32, #tpu.memory_space<hbm>> -> memref<640x64xf32, #tpu.memory_space<hbm>>
      tpu.wait_dma2 semaphore(%run_scoped3A : memref<!tpu.dma_semaphore, #tpu.memory_space<semaphore_mem>>) src(%dma_wait3A_93 : memref<640x64xf32, #tpu.memory_space<hbm>>) dst(%dma_wait3A_87 : memref<640x64xf32, #tpu.memory_space<vmem_shared>>)
      tpu.yield
    }) : () -> ()
    "tpu.region"() ({
      %run_scoped3A = tpu.sem_alloc : memref<!tpu.dma_semaphore, #tpu.memory_space<semaphore_mem>>
      %dma_start3A_78 = arith.constant 0 : i32
      %dma_start3A_79 = tpu.memref_slice %arg12[%add3A_7, %dma_start3A_78] : memref<20480x64xf32, #tpu.memory_space<vmem_shared>> -> memref<640x64xf32, #tpu.memory_space<vmem_shared>>
      %dma_start3A_80 = arith.constant 0 : i32
      %dma_start3A_81 = tpu.memref_slice %arg5[%mul3A_4, %dma_start3A_80] : memref<10240x64xf32, #tpu.memory_space<hbm>> -> memref<640x64xf32, #tpu.memory_space<hbm>>
      tpu.enqueue_dma source(%dma_start3A_81 : memref<640x64xf32, #tpu.memory_space<hbm>>) target(%dma_start3A_79 : memref<640x64xf32, #tpu.memory_space<vmem_shared>>) target_semaphore(%run_scoped3A : memref<!tpu.dma_semaphore, #tpu.memory_space<semaphore_mem>>)
      %dma_wait3A_82 = arith.constant 0 : i32
      %dma_wait3A_83 = tpu.memref_slice %arg12[%add3A_7, %dma_wait3A_82] : memref<20480x64xf32, #tpu.memory_space<vmem_shared>> -> memref<640x64xf32, #tpu.memory_space<vmem_shared>>
      %dma_wait3A_84 = arith.constant 0 : i32
      %dma_wait3A_85 = tpu.memref_slice %arg5[%mul3A_4, %dma_wait3A_84] : memref<10240x64xf32, #tpu.memory_space<hbm>> -> memref<640x64xf32, #tpu.memory_space<hbm>>
      tpu.wait_dma2 semaphore(%run_scoped3A : memref<!tpu.dma_semaphore, #tpu.memory_space<semaphore_mem>>) src(%dma_wait3A_85 : memref<640x64xf32, #tpu.memory_space<hbm>>) dst(%dma_wait3A_83 : memref<640x64xf32, #tpu.memory_space<vmem_shared>>)
      tpu.yield
    }) : () -> ()
    %barrier3A = arith.constant 0 : index
    tpu.barrier barrier_id(%barrier3A)
    %add3A_8 = arith.constant 0 : i32
    %add3A_9 = arith.addi %mul3A_0, %add3A_8 : i32
    "tpu.region"() ({
      %run_scoped3A = tpu.sem_alloc : memref<!tpu.dma_semaphore, #tpu.memory_space<semaphore_mem>>
      %dma_start3A_78 = tpu.memref_slice %arg3[%add3A_9] : memref<327680xi32, #tpu.memory_space<hbm>> -> memref<10240xi32, #tpu.memory_space<hbm>>
      %dma_start3A_79 = tpu.memref_slice %arg3[%add3A_9] : memref<327680xi32, #tpu.memory_space<hbm>> -> memref<10240xi32, #tpu.memory_space<hbm>>
      tpu.enqueue_dma source(%dma_start3A_79 : memref<10240xi32, #tpu.memory_space<hbm>>) target(%arg7 : memref<10240xi32, #tpu.memory_space<vmem>>) target_semaphore(%run_scoped3A : memref<!tpu.dma_semaphore, #tpu.memory_space<semaphore_mem>>)
      %dma_wait3A_80 = tpu.memref_slice %arg3[%add3A_9] : memref<327680xi32, #tpu.memory_space<hbm>> -> memref<10240xi32, #tpu.memory_space<hbm>>
      %dma_wait3A_81 = tpu.memref_slice %arg3[%add3A_9] : memref<327680xi32, #tpu.memory_space<hbm>> -> memref<10240xi32, #tpu.memory_space<hbm>>
      tpu.wait_dma2 semaphore(%run_scoped3A : memref<!tpu.dma_semaphore, #tpu.memory_space<semaphore_mem>>) src(%dma_wait3A_81 : memref<10240xi32, #tpu.memory_space<hbm>>) dst(%arg7 : memref<10240xi32, #tpu.memory_space<vmem>>)
      tpu.yield
    }) : () -> ()
    %add3A_10 = arith.constant 0 : i32
    %add3A_11 = arith.addi %mul3A_2, %add3A_10 : i32
    %dma_start3A = arith.constant 0 : i32
    %dma_start3A_12 = tpu.memref_slice %arg7[%dma_start3A] : memref<10240xi32, #tpu.memory_space<vmem>> -> memref<128xi32, #tpu.memory_space<vmem>>
    %dma_start3A_13 = arith.constant 0 : i32
    %dma_start3A_14 = arith.constant 0 : i32
    %dma_start3A_15 = tpu.memref_slice %arg12[%dma_start3A_13, %dma_start3A_14] : memref<20480x64xf32, #tpu.memory_space<vmem_shared>> -> memref<20480x64xf32, #tpu.memory_space<vmem_shared>>
    tpu.enqueue_indirect_dma source(%dma_start3A_15 : memref<20480x64xf32, #tpu.memory_space<vmem_shared>>) target(%arg8 : memref<128x64xf32, #tpu.memory_space<vmem>>) offsets(%dma_start3A_12 : memref<128xi32, #tpu.memory_space<vmem>>) semaphore(%arg13 : memref<!tpu.dma_semaphore, #tpu.memory_space<semaphore_mem>>)
    %dma_start3A_16 = arith.constant 0 : i32
    %dma_start3A_17 = arith.constant 0 : i32
    %dma_start3A_18 = tpu.memref_slice %arg4[%add3A_11, %dma_start3A_16, %dma_start3A_17] : memref<2560x2x128xi32, #tpu.memory_space<hbm>> -> memref<1x2x128xi32, #tpu.memory_space<hbm>>
    %dma_start3A_19 = tpu.memref_squeeze %dma_start3A_18 : memref<1x2x128xi32, #tpu.memory_space<hbm>> -> memref<2x128xi32, #tpu.memory_space<hbm>>
    %dma_start3A_20 = arith.constant 0 : i32
    %dma_start3A_21 = arith.constant 0 : i32
    %dma_start3A_22 = tpu.memref_slice %arg4[%add3A_11, %dma_start3A_20, %dma_start3A_21] : memref<2560x2x128xi32, #tpu.memory_space<hbm>> -> memref<1x2x128xi32, #tpu.memory_space<hbm>>
    %dma_start3A_23 = tpu.memref_squeeze %dma_start3A_22 : memref<1x2x128xi32, #tpu.memory_space<hbm>> -> memref<2x128xi32, #tpu.memory_space<hbm>>
    tpu.enqueue_dma source(%dma_start3A_23 : memref<2x128xi32, #tpu.memory_space<hbm>>) target(%arg10 : memref<2x128xi32, #tpu.memory_space<vmem>>) target_semaphore(%arg15 : memref<!tpu.dma_semaphore, #tpu.memory_space<semaphore_mem>>)
    %scan3A = arith.constant 0 : i32
    %scan3A_24 = arith.constant 40 : i32
    %scan3A_25 = arith.addi %scan3A, %scan3A_24 : i32
    %scan3A_26 = arith.constant 1 : i32
    scf.for %scan3A_78 = %scan3A to %scan3A_25 step %scan3A_26  : i32 {
      %mul3A_79 = arith.constant 2 : i32
      %mul3A_80 = arith.muli %scan3A_78, %mul3A_79 : i32
      %gt3A = arith.constant 0 : i32
      %gt3A_81 = arith.cmpi sgt, %scan3A_78, %gt3A : i32
      %convert_element_type3A = arith.extui %gt3A_81 : i1 to i32
      %cond3A = arith.constant 0 : i32
      %cond3A_82 = arith.cmpi ne, %convert_element_type3A, %cond3A : i32
      scf.if %cond3A_82 {
        %dma_wait3A_148 = arith.constant 0 : i32
        %dma_wait3A_149 = arith.constant 0 : i32
        %dma_wait3A_150 = tpu.memref_slice %arg11[%dma_wait3A_148, %dma_wait3A_149] : memref<2x128xi32, #tpu.memory_space<vmem>> -> memref<1x128xi32, #tpu.memory_space<vmem>>
        %dma_wait3A_151 = tpu.memref_squeeze %dma_wait3A_150 : memref<1x128xi32, #tpu.memory_space<vmem>> -> memref<128xi32, #tpu.memory_space<vmem>>
        %dma_wait3A_152 = arith.constant 0 : i32
        %dma_wait3A_153 = arith.constant 0 : i32
        %dma_wait3A_154 = tpu.memref_slice %arg12[%dma_wait3A_152, %dma_wait3A_153] : memref<20480x64xf32, #tpu.memory_space<vmem_shared>> -> memref<20480x64xf32, #tpu.memory_space<vmem_shared>>
        tpu.wait_indirect_dma semaphore(%arg18 : memref<!tpu.dma_semaphore, #tpu.memory_space<semaphore_mem>>) src(%arg9 : memref<128x64xf32, #tpu.memory_space<vmem>>) dst(%dma_wait3A_154 : memref<20480x64xf32, #tpu.memory_space<vmem_shared>>)
      } else {
      }
      %add3A_83 = arith.constant 1 : i32
      %add3A_84 = arith.addi %mul3A_80, %add3A_83 : i32
      %mul3A_85 = arith.constant 128 : i32
      %mul3A_86 = arith.muli %add3A_84, %mul3A_85 : i32
      %dma_start3A_87 = tpu.memref_slice %arg7[%mul3A_86] : memref<10240xi32, #tpu.memory_space<vmem>> -> memref<128xi32, #tpu.memory_space<vmem>>
      %dma_start3A_88 = arith.constant 0 : i32
      %dma_start3A_89 = arith.constant 0 : i32
      %dma_start3A_90 = tpu.memref_slice %arg12[%dma_start3A_88, %dma_start3A_89] : memref<20480x64xf32, #tpu.memory_space<vmem_shared>> -> memref<20480x64xf32, #tpu.memory_space<vmem_shared>>
      tpu.enqueue_indirect_dma source(%dma_start3A_90 : memref<20480x64xf32, #tpu.memory_space<vmem_shared>>) target(%arg9 : memref<128x64xf32, #tpu.memory_space<vmem>>) offsets(%dma_start3A_87 : memref<128xi32, #tpu.memory_space<vmem>>) semaphore(%arg14 : memref<!tpu.dma_semaphore, #tpu.memory_space<semaphore_mem>>)
      %add3A_91 = arith.addi %add3A_11, %mul3A_80 : i32
      %add3A_92 = arith.constant 1 : i32
      %add3A_93 = arith.addi %add3A_91, %add3A_92 : i32
      %dma_start3A_94 = arith.constant 0 : i32
      %dma_start3A_95 = arith.constant 0 : i32
      %dma_start3A_96 = tpu.memref_slice %arg4[%add3A_93, %dma_start3A_94, %dma_start3A_95] : memref<2560x2x128xi32, #tpu.memory_space<hbm>> -> memref<1x2x128xi32, #tpu.memory_space<hbm>>
      %dma_start3A_97 = tpu.memref_squeeze %dma_start3A_96 : memref<1x2x128xi32, #tpu.memory_space<hbm>> -> memref<2x128xi32, #tpu.memory_space<hbm>>
      %dma_start3A_98 = arith.constant 0 : i32
      %dma_start3A_99 = arith.constant 0 : i32
      %dma_start3A_100 = tpu.memref_slice %arg4[%add3A_93, %dma_start3A_98, %dma_start3A_99] : memref<2560x2x128xi32, #tpu.memory_space<hbm>> -> memref<1x2x128xi32, #tpu.memory_space<hbm>>
      %dma_start3A_101 = tpu.memref_squeeze %dma_start3A_100 : memref<1x2x128xi32, #tpu.memory_space<hbm>> -> memref<2x128xi32, #tpu.memory_space<hbm>>
      tpu.enqueue_dma source(%dma_start3A_101 : memref<2x128xi32, #tpu.memory_space<hbm>>) target(%arg11 : memref<2x128xi32, #tpu.memory_space<vmem>>) target_semaphore(%arg16 : memref<!tpu.dma_semaphore, #tpu.memory_space<semaphore_mem>>)
      %dma_wait3A_102 = arith.constant 0 : i32
      %dma_wait3A_103 = tpu.memref_slice %arg7[%dma_wait3A_102] : memref<10240xi32, #tpu.memory_space<vmem>> -> memref<128xi32, #tpu.memory_space<vmem>>
      %dma_wait3A_104 = arith.constant 0 : i32
      %dma_wait3A_105 = arith.constant 0 : i32
      %dma_wait3A_106 = tpu.memref_slice %arg12[%dma_wait3A_104, %dma_wait3A_105] : memref<20480x64xf32, #tpu.memory_space<vmem_shared>> -> memref<20480x64xf32, #tpu.memory_space<vmem_shared>>
      tpu.wait_indirect_dma semaphore(%arg13 : memref<!tpu.dma_semaphore, #tpu.memory_space<semaphore_mem>>) src(%dma_wait3A_106 : memref<20480x64xf32, #tpu.memory_space<vmem_shared>>) dst(%arg8 : memref<128x64xf32, #tpu.memory_space<vmem>>)
      %dma_wait3A_107 = arith.constant 0 : i32
      %dma_wait3A_108 = arith.constant 0 : i32
      %dma_wait3A_109 = tpu.memref_slice %arg4[%add3A_11, %dma_wait3A_107, %dma_wait3A_108] : memref<2560x2x128xi32, #tpu.memory_space<hbm>> -> memref<1x2x128xi32, #tpu.memory_space<hbm>>
      %dma_wait3A_110 = tpu.memref_squeeze %dma_wait3A_109 : memref<1x2x128xi32, #tpu.memory_space<hbm>> -> memref<2x128xi32, #tpu.memory_space<hbm>>
      %dma_wait3A_111 = arith.constant 0 : i32
      %dma_wait3A_112 = arith.constant 0 : i32
      %dma_wait3A_113 = tpu.memref_slice %arg4[%add3A_11, %dma_wait3A_111, %dma_wait3A_112] : memref<2560x2x128xi32, #tpu.memory_space<hbm>> -> memref<1x2x128xi32, #tpu.memory_space<hbm>>
      %dma_wait3A_114 = tpu.memref_squeeze %dma_wait3A_113 : memref<1x2x128xi32, #tpu.memory_space<hbm>> -> memref<2x128xi32, #tpu.memory_space<hbm>>
      tpu.wait_dma2 semaphore(%arg15 : memref<!tpu.dma_semaphore, #tpu.memory_space<semaphore_mem>>) src(%dma_wait3A_114 : memref<2x128xi32, #tpu.memory_space<hbm>>) dst(%arg10 : memref<2x128xi32, #tpu.memory_space<vmem>>)
      %dma_start3A_115 = arith.constant 0 : i32
      %dma_start3A_116 = arith.constant 0 : i32
      %dma_start3A_117 = tpu.memref_slice %arg10[%dma_start3A_115, %dma_start3A_116] : memref<2x128xi32, #tpu.memory_space<vmem>> -> memref<1x128xi32, #tpu.memory_space<vmem>>
      %dma_start3A_118 = tpu.memref_squeeze %dma_start3A_117 : memref<1x128xi32, #tpu.memory_space<vmem>> -> memref<128xi32, #tpu.memory_space<vmem>>
      %dma_start3A_119 = arith.constant 0 : i32
      %dma_start3A_120 = arith.constant 0 : i32
      %dma_start3A_121 = tpu.memref_slice %arg12[%dma_start3A_119, %dma_start3A_120] : memref<20480x64xf32, #tpu.memory_space<vmem_shared>> -> memref<20480x64xf32, #tpu.memory_space<vmem_shared>>
      tpu.enqueue_indirect_dma source(%arg8 : memref<128x64xf32, #tpu.memory_space<vmem>>) target(%dma_start3A_121 : memref<20480x64xf32, #tpu.memory_space<vmem_shared>>) offsets(%dma_start3A_118 : memref<128xi32, #tpu.memory_space<vmem>>) semaphore(%arg17 : memref<!tpu.dma_semaphore, #tpu.memory_space<semaphore_mem>>) {add = true}
      %add3A_122 = arith.constant 2 : i32
      %add3A_123 = arith.addi %mul3A_80, %add3A_122 : i32
      %lt3A = arith.constant 80 : i32
      %lt3A_124 = arith.cmpi slt, %add3A_123, %lt3A : i32
      %convert_element_type3A_125 = arith.extui %lt3A_124 : i1 to i32
      %cond3A_126 = arith.constant 0 : i32
      %cond3A_127 = arith.cmpi ne, %convert_element_type3A_125, %cond3A_126 : i32
      scf.if %cond3A_127 {
        %dma_wait3A_148 = arith.constant 0 : i32
        %dma_wait3A_149 = arith.constant 0 : i32
        %dma_wait3A_150 = tpu.memref_slice %arg10[%dma_wait3A_148, %dma_wait3A_149] : memref<2x128xi32, #tpu.memory_space<vmem>> -> memref<1x128xi32, #tpu.memory_space<vmem>>
        %dma_wait3A_151 = tpu.memref_squeeze %dma_wait3A_150 : memref<1x128xi32, #tpu.memory_space<vmem>> -> memref<128xi32, #tpu.memory_space<vmem>>
        %dma_wait3A_152 = arith.constant 0 : i32
        %dma_wait3A_153 = arith.constant 0 : i32
        %dma_wait3A_154 = tpu.memref_slice %arg12[%dma_wait3A_152, %dma_wait3A_153] : memref<20480x64xf32, #tpu.memory_space<vmem_shared>> -> memref<20480x64xf32, #tpu.memory_space<vmem_shared>>
        tpu.wait_indirect_dma semaphore(%arg17 : memref<!tpu.dma_semaphore, #tpu.memory_space<semaphore_mem>>) src(%arg8 : memref<128x64xf32, #tpu.memory_space<vmem>>) dst(%dma_wait3A_154 : memref<20480x64xf32, #tpu.memory_space<vmem_shared>>)
        %add3A_155 = arith.constant 2 : i32
        %add3A_156 = arith.addi %mul3A_80, %add3A_155 : i32
        %mul3A_157 = arith.constant 128 : i32
        %mul3A_158 = arith.muli %add3A_156, %mul3A_157 : i32
        %dma_start3A_159 = tpu.memref_slice %arg7[%mul3A_158] : memref<10240xi32, #tpu.memory_space<vmem>> -> memref<128xi32, #tpu.memory_space<vmem>>
        %dma_start3A_160 = arith.constant 0 : i32
        %dma_start3A_161 = arith.constant 0 : i32
        %dma_start3A_162 = tpu.memref_slice %arg12[%dma_start3A_160, %dma_start3A_161] : memref<20480x64xf32, #tpu.memory_space<vmem_shared>> -> memref<20480x64xf32, #tpu.memory_space<vmem_shared>>
        tpu.enqueue_indirect_dma source(%dma_start3A_162 : memref<20480x64xf32, #tpu.memory_space<vmem_shared>>) target(%arg8 : memref<128x64xf32, #tpu.memory_space<vmem>>) offsets(%dma_start3A_159 : memref<128xi32, #tpu.memory_space<vmem>>) semaphore(%arg13 : memref<!tpu.dma_semaphore, #tpu.memory_space<semaphore_mem>>)
        %add3A_163 = arith.addi %add3A_11, %mul3A_80 : i32
        %add3A_164 = arith.constant 2 : i32
        %add3A_165 = arith.addi %add3A_163, %add3A_164 : i32
        %dma_start3A_166 = arith.constant 0 : i32
        %dma_start3A_167 = arith.constant 0 : i32
        %dma_start3A_168 = tpu.memref_slice %arg4[%add3A_165, %dma_start3A_166, %dma_start3A_167] : memref<2560x2x128xi32, #tpu.memory_space<hbm>> -> memref<1x2x128xi32, #tpu.memory_space<hbm>>
        %dma_start3A_169 = tpu.memref_squeeze %dma_start3A_168 : memref<1x2x128xi32, #tpu.memory_space<hbm>> -> memref<2x128xi32, #tpu.memory_space<hbm>>
        %dma_start3A_170 = arith.constant 0 : i32
        %dma_start3A_171 = arith.constant 0 : i32
        %dma_start3A_172 = tpu.memref_slice %arg4[%add3A_165, %dma_start3A_170, %dma_start3A_171] : memref<2560x2x128xi32, #tpu.memory_space<hbm>> -> memref<1x2x128xi32, #tpu.memory_space<hbm>>
        %dma_start3A_173 = tpu.memref_squeeze %dma_start3A_172 : memref<1x2x128xi32, #tpu.memory_space<hbm>> -> memref<2x128xi32, #tpu.memory_space<hbm>>
        tpu.enqueue_dma source(%dma_start3A_173 : memref<2x128xi32, #tpu.memory_space<hbm>>) target(%arg10 : memref<2x128xi32, #tpu.memory_space<vmem>>) target_semaphore(%arg15 : memref<!tpu.dma_semaphore, #tpu.memory_space<semaphore_mem>>)
      } else {
      }
      %dma_wait3A_128 = arith.constant 0 : i32
      %dma_wait3A_129 = tpu.memref_slice %arg7[%dma_wait3A_128] : memref<10240xi32, #tpu.memory_space<vmem>> -> memref<128xi32, #tpu.memory_space<vmem>>
      %dma_wait3A_130 = arith.constant 0 : i32
      %dma_wait3A_131 = arith.constant 0 : i32
      %dma_wait3A_132 = tpu.memref_slice %arg12[%dma_wait3A_130, %dma_wait3A_131] : memref<20480x64xf32, #tpu.memory_space<vmem_shared>> -> memref<20480x64xf32, #tpu.memory_space<vmem_shared>>
      tpu.wait_indirect_dma semaphore(%arg14 : memref<!tpu.dma_semaphore, #tpu.memory_space<semaphore_mem>>) src(%dma_wait3A_132 : memref<20480x64xf32, #tpu.memory_space<vmem_shared>>) dst(%arg9 : memref<128x64xf32, #tpu.memory_space<vmem>>)
      %dma_wait3A_133 = arith.constant 0 : i32
      %dma_wait3A_134 = arith.constant 0 : i32
      %dma_wait3A_135 = tpu.memref_slice %arg4[%add3A_11, %dma_wait3A_133, %dma_wait3A_134] : memref<2560x2x128xi32, #tpu.memory_space<hbm>> -> memref<1x2x128xi32, #tpu.memory_space<hbm>>
      %dma_wait3A_136 = tpu.memref_squeeze %dma_wait3A_135 : memref<1x2x128xi32, #tpu.memory_space<hbm>> -> memref<2x128xi32, #tpu.memory_space<hbm>>
      %dma_wait3A_137 = arith.constant 0 : i32
      %dma_wait3A_138 = arith.constant 0 : i32
      %dma_wait3A_139 = tpu.memref_slice %arg4[%add3A_11, %dma_wait3A_137, %dma_wait3A_138] : memref<2560x2x128xi32, #tpu.memory_space<hbm>> -> memref<1x2x128xi32, #tpu.memory_space<hbm>>
      %dma_wait3A_140 = tpu.memref_squeeze %dma_wait3A_139 : memref<1x2x128xi32, #tpu.memory_space<hbm>> -> memref<2x128xi32, #tpu.memory_space<hbm>>
      tpu.wait_dma2 semaphore(%arg16 : memref<!tpu.dma_semaphore, #tpu.memory_space<semaphore_mem>>) src(%dma_wait3A_140 : memref<2x128xi32, #tpu.memory_space<hbm>>) dst(%arg11 : memref<2x128xi32, #tpu.memory_space<vmem>>)
      %dma_start3A_141 = arith.constant 0 : i32
      %dma_start3A_142 = arith.constant 0 : i32
      %dma_start3A_143 = tpu.memref_slice %arg11[%dma_start3A_141, %dma_start3A_142] : memref<2x128xi32, #tpu.memory_space<vmem>> -> memref<1x128xi32, #tpu.memory_space<vmem>>
      %dma_start3A_144 = tpu.memref_squeeze %dma_start3A_143 : memref<1x128xi32, #tpu.memory_space<vmem>> -> memref<128xi32, #tpu.memory_space<vmem>>
      %dma_start3A_145 = arith.constant 0 : i32
      %dma_start3A_146 = arith.constant 0 : i32
      %dma_start3A_147 = tpu.memref_slice %arg12[%dma_start3A_145, %dma_start3A_146] : memref<20480x64xf32, #tpu.memory_space<vmem_shared>> -> memref<20480x64xf32, #tpu.memory_space<vmem_shared>>
      tpu.enqueue_indirect_dma source(%arg9 : memref<128x64xf32, #tpu.memory_space<vmem>>) target(%dma_start3A_147 : memref<20480x64xf32, #tpu.memory_space<vmem_shared>>) offsets(%dma_start3A_144 : memref<128xi32, #tpu.memory_space<vmem>>) semaphore(%arg18 : memref<!tpu.dma_semaphore, #tpu.memory_space<semaphore_mem>>) {add = true}
    }
    %scan3A_27 = arith.constant 40 : i32
    %dma_wait3A = arith.constant 0 : i32
    %dma_wait3A_28 = arith.constant 0 : i32
    %dma_wait3A_29 = tpu.memref_slice %arg10[%dma_wait3A, %dma_wait3A_28] : memref<2x128xi32, #tpu.memory_space<vmem>> -> memref<1x128xi32, #tpu.memory_space<vmem>>
    %dma_wait3A_30 = tpu.memref_squeeze %dma_wait3A_29 : memref<1x128xi32, #tpu.memory_space<vmem>> -> memref<128xi32, #tpu.memory_space<vmem>>
    %dma_wait3A_31 = arith.constant 0 : i32
    %dma_wait3A_32 = arith.constant 0 : i32
    %dma_wait3A_33 = tpu.memref_slice %arg12[%dma_wait3A_31, %dma_wait3A_32] : memref<20480x64xf32, #tpu.memory_space<vmem_shared>> -> memref<20480x64xf32, #tpu.memory_space<vmem_shared>>
    tpu.wait_indirect_dma semaphore(%arg17 : memref<!tpu.dma_semaphore, #tpu.memory_space<semaphore_mem>>) src(%arg8 : memref<128x64xf32, #tpu.memory_space<vmem>>) dst(%dma_wait3A_33 : memref<20480x64xf32, #tpu.memory_space<vmem_shared>>)
    %dma_wait3A_34 = arith.constant 0 : i32
    %dma_wait3A_35 = arith.constant 0 : i32
    %dma_wait3A_36 = tpu.memref_slice %arg11[%dma_wait3A_34, %dma_wait3A_35] : memref<2x128xi32, #tpu.memory_space<vmem>> -> memref<1x128xi32, #tpu.memory_space<vmem>>
    %dma_wait3A_37 = tpu.memref_squeeze %dma_wait3A_36 : memref<1x128xi32, #tpu.memory_space<vmem>> -> memref<128xi32, #tpu.memory_space<vmem>>
    %dma_wait3A_38 = arith.constant 0 : i32
    %dma_wait3A_39 = arith.constant 0 : i32
    %dma_wait3A_40 = tpu.memref_slice %arg12[%dma_wait3A_38, %dma_wait3A_39] : memref<20480x64xf32, #tpu.memory_space<vmem_shared>> -> memref<20480x64xf32, #tpu.memory_space<vmem_shared>>
    tpu.wait_indirect_dma semaphore(%arg18 : memref<!tpu.dma_semaphore, #tpu.memory_space<semaphore_mem>>) src(%arg9 : memref<128x64xf32, #tpu.memory_space<vmem>>) dst(%dma_wait3A_40 : memref<20480x64xf32, #tpu.memory_space<vmem_shared>>)
    %add3A_41 = arith.constant 10240 : i32
    %add3A_42 = arith.addi %mul3A_0, %add3A_41 : i32
    "tpu.region"() ({
      %run_scoped3A = tpu.sem_alloc : memref<!tpu.dma_semaphore, #tpu.memory_space<semaphore_mem>>
      %dma_start3A_78 = tpu.memref_slice %arg3[%add3A_42] : memref<327680xi32, #tpu.memory_space<hbm>> -> memref<10240xi32, #tpu.memory_space<hbm>>
      %dma_start3A_79 = tpu.memref_slice %arg3[%add3A_42] : memref<327680xi32, #tpu.memory_space<hbm>> -> memref<10240xi32, #tpu.memory_space<hbm>>
      tpu.enqueue_dma source(%dma_start3A_79 : memref<10240xi32, #tpu.memory_space<hbm>>) target(%arg7 : memref<10240xi32, #tpu.memory_space<vmem>>) target_semaphore(%run_scoped3A : memref<!tpu.dma_semaphore, #tpu.memory_space<semaphore_mem>>)
      %dma_wait3A_80 = tpu.memref_slice %arg3[%add3A_42] : memref<327680xi32, #tpu.memory_space<hbm>> -> memref<10240xi32, #tpu.memory_space<hbm>>
      %dma_wait3A_81 = tpu.memref_slice %arg3[%add3A_42] : memref<327680xi32, #tpu.memory_space<hbm>> -> memref<10240xi32, #tpu.memory_space<hbm>>
      tpu.wait_dma2 semaphore(%run_scoped3A : memref<!tpu.dma_semaphore, #tpu.memory_space<semaphore_mem>>) src(%dma_wait3A_81 : memref<10240xi32, #tpu.memory_space<hbm>>) dst(%arg7 : memref<10240xi32, #tpu.memory_space<vmem>>)
      tpu.yield
    }) : () -> ()
    %add3A_43 = arith.constant 80 : i32
    %add3A_44 = arith.addi %mul3A_2, %add3A_43 : i32
    %dma_start3A_45 = arith.constant 0 : i32
    %dma_start3A_46 = tpu.memref_slice %arg7[%dma_start3A_45] : memref<10240xi32, #tpu.memory_space<vmem>> -> memref<128xi32, #tpu.memory_space<vmem>>
    %dma_start3A_47 = arith.constant 0 : i32
    %dma_start3A_48 = arith.constant 0 : i32
    %dma_start3A_49 = tpu.memref_slice %arg12[%dma_start3A_47, %dma_start3A_48] : memref<20480x64xf32, #tpu.memory_space<vmem_shared>> -> memref<20480x64xf32, #tpu.memory_space<vmem_shared>>
    tpu.enqueue_indirect_dma source(%dma_start3A_49 : memref<20480x64xf32, #tpu.memory_space<vmem_shared>>) target(%arg8 : memref<128x64xf32, #tpu.memory_space<vmem>>) offsets(%dma_start3A_46 : memref<128xi32, #tpu.memory_space<vmem>>) semaphore(%arg13 : memref<!tpu.dma_semaphore, #tpu.memory_space<semaphore_mem>>)
    %dma_start3A_50 = arith.constant 0 : i32
    %dma_start3A_51 = arith.constant 0 : i32
    %dma_start3A_52 = tpu.memref_slice %arg4[%add3A_44, %dma_start3A_50, %dma_start3A_51] : memref<2560x2x128xi32, #tpu.memory_space<hbm>> -> memref<1x2x128xi32, #tpu.memory_space<hbm>>
    %dma_start3A_53 = tpu.memref_squeeze %dma_start3A_52 : memref<1x2x128xi32, #tpu.memory_space<hbm>> -> memref<2x128xi32, #tpu.memory_space<hbm>>
    %dma_start3A_54 = arith.constant 0 : i32
    %dma_start3A_55 = arith.constant 0 : i32
    %dma_start3A_56 = tpu.memref_slice %arg4[%add3A_44, %dma_start3A_54, %dma_start3A_55] : memref<2560x2x128xi32, #tpu.memory_space<hbm>> -> memref<1x2x128xi32, #tpu.memory_space<hbm>>
    %dma_start3A_57 = tpu.memref_squeeze %dma_start3A_56 : memref<1x2x128xi32, #tpu.memory_space<hbm>> -> memref<2x128xi32, #tpu.memory_space<hbm>>
    tpu.enqueue_dma source(%dma_start3A_57 : memref<2x128xi32, #tpu.memory_space<hbm>>) target(%arg10 : memref<2x128xi32, #tpu.memory_space<vmem>>) target_semaphore(%arg15 : memref<!tpu.dma_semaphore, #tpu.memory_space<semaphore_mem>>)
    %scan3A_58 = arith.constant 0 : i32
    %scan3A_59 = arith.constant 40 : i32
    %scan3A_60 = arith.addi %scan3A_58, %scan3A_59 : i32
    %scan3A_61 = arith.constant 1 : i32
    scf.for %scan3A_78 = %scan3A_58 to %scan3A_60 step %scan3A_61  : i32 {
      %mul3A_79 = arith.constant 2 : i32
      %mul3A_80 = arith.muli %scan3A_78, %mul3A_79 : i32
      %gt3A = arith.constant 0 : i32
      %gt3A_81 = arith.cmpi sgt, %scan3A_78, %gt3A : i32
      %convert_element_type3A = arith.extui %gt3A_81 : i1 to i32
      %cond3A = arith.constant 0 : i32
      %cond3A_82 = arith.cmpi ne, %convert_element_type3A, %cond3A : i32
      scf.if %cond3A_82 {
        %dma_wait3A_148 = arith.constant 0 : i32
        %dma_wait3A_149 = arith.constant 0 : i32
        %dma_wait3A_150 = tpu.memref_slice %arg11[%dma_wait3A_148, %dma_wait3A_149] : memref<2x128xi32, #tpu.memory_space<vmem>> -> memref<1x128xi32, #tpu.memory_space<vmem>>
        %dma_wait3A_151 = tpu.memref_squeeze %dma_wait3A_150 : memref<1x128xi32, #tpu.memory_space<vmem>> -> memref<128xi32, #tpu.memory_space<vmem>>
        %dma_wait3A_152 = arith.constant 0 : i32
        %dma_wait3A_153 = arith.constant 0 : i32
        %dma_wait3A_154 = tpu.memref_slice %arg12[%dma_wait3A_152, %dma_wait3A_153] : memref<20480x64xf32, #tpu.memory_space<vmem_shared>> -> memref<20480x64xf32, #tpu.memory_space<vmem_shared>>
        tpu.wait_indirect_dma semaphore(%arg18 : memref<!tpu.dma_semaphore, #tpu.memory_space<semaphore_mem>>) src(%arg9 : memref<128x64xf32, #tpu.memory_space<vmem>>) dst(%dma_wait3A_154 : memref<20480x64xf32, #tpu.memory_space<vmem_shared>>)
      } else {
      }
      %add3A_83 = arith.constant 1 : i32
      %add3A_84 = arith.addi %mul3A_80, %add3A_83 : i32
      %mul3A_85 = arith.constant 128 : i32
      %mul3A_86 = arith.muli %add3A_84, %mul3A_85 : i32
      %dma_start3A_87 = tpu.memref_slice %arg7[%mul3A_86] : memref<10240xi32, #tpu.memory_space<vmem>> -> memref<128xi32, #tpu.memory_space<vmem>>
      %dma_start3A_88 = arith.constant 0 : i32
      %dma_start3A_89 = arith.constant 0 : i32
      %dma_start3A_90 = tpu.memref_slice %arg12[%dma_start3A_88, %dma_start3A_89] : memref<20480x64xf32, #tpu.memory_space<vmem_shared>> -> memref<20480x64xf32, #tpu.memory_space<vmem_shared>>
      tpu.enqueue_indirect_dma source(%dma_start3A_90 : memref<20480x64xf32, #tpu.memory_space<vmem_shared>>) target(%arg9 : memref<128x64xf32, #tpu.memory_space<vmem>>) offsets(%dma_start3A_87 : memref<128xi32, #tpu.memory_space<vmem>>) semaphore(%arg14 : memref<!tpu.dma_semaphore, #tpu.memory_space<semaphore_mem>>)
      %add3A_91 = arith.addi %add3A_44, %mul3A_80 : i32
      %add3A_92 = arith.constant 1 : i32
      %add3A_93 = arith.addi %add3A_91, %add3A_92 : i32
      %dma_start3A_94 = arith.constant 0 : i32
      %dma_start3A_95 = arith.constant 0 : i32
      %dma_start3A_96 = tpu.memref_slice %arg4[%add3A_93, %dma_start3A_94, %dma_start3A_95] : memref<2560x2x128xi32, #tpu.memory_space<hbm>> -> memref<1x2x128xi32, #tpu.memory_space<hbm>>
      %dma_start3A_97 = tpu.memref_squeeze %dma_start3A_96 : memref<1x2x128xi32, #tpu.memory_space<hbm>> -> memref<2x128xi32, #tpu.memory_space<hbm>>
      %dma_start3A_98 = arith.constant 0 : i32
      %dma_start3A_99 = arith.constant 0 : i32
      %dma_start3A_100 = tpu.memref_slice %arg4[%add3A_93, %dma_start3A_98, %dma_start3A_99] : memref<2560x2x128xi32, #tpu.memory_space<hbm>> -> memref<1x2x128xi32, #tpu.memory_space<hbm>>
      %dma_start3A_101 = tpu.memref_squeeze %dma_start3A_100 : memref<1x2x128xi32, #tpu.memory_space<hbm>> -> memref<2x128xi32, #tpu.memory_space<hbm>>
      tpu.enqueue_dma source(%dma_start3A_101 : memref<2x128xi32, #tpu.memory_space<hbm>>) target(%arg11 : memref<2x128xi32, #tpu.memory_space<vmem>>) target_semaphore(%arg16 : memref<!tpu.dma_semaphore, #tpu.memory_space<semaphore_mem>>)
      %dma_wait3A_102 = arith.constant 0 : i32
      %dma_wait3A_103 = tpu.memref_slice %arg7[%dma_wait3A_102] : memref<10240xi32, #tpu.memory_space<vmem>> -> memref<128xi32, #tpu.memory_space<vmem>>
      %dma_wait3A_104 = arith.constant 0 : i32
      %dma_wait3A_105 = arith.constant 0 : i32
      %dma_wait3A_106 = tpu.memref_slice %arg12[%dma_wait3A_104, %dma_wait3A_105] : memref<20480x64xf32, #tpu.memory_space<vmem_shared>> -> memref<20480x64xf32, #tpu.memory_space<vmem_shared>>
      tpu.wait_indirect_dma semaphore(%arg13 : memref<!tpu.dma_semaphore, #tpu.memory_space<semaphore_mem>>) src(%dma_wait3A_106 : memref<20480x64xf32, #tpu.memory_space<vmem_shared>>) dst(%arg8 : memref<128x64xf32, #tpu.memory_space<vmem>>)
      %dma_wait3A_107 = arith.constant 0 : i32
      %dma_wait3A_108 = arith.constant 0 : i32
      %dma_wait3A_109 = tpu.memref_slice %arg4[%add3A_44, %dma_wait3A_107, %dma_wait3A_108] : memref<2560x2x128xi32, #tpu.memory_space<hbm>> -> memref<1x2x128xi32, #tpu.memory_space<hbm>>
      %dma_wait3A_110 = tpu.memref_squeeze %dma_wait3A_109 : memref<1x2x128xi32, #tpu.memory_space<hbm>> -> memref<2x128xi32, #tpu.memory_space<hbm>>
      %dma_wait3A_111 = arith.constant 0 : i32
      %dma_wait3A_112 = arith.constant 0 : i32
      %dma_wait3A_113 = tpu.memref_slice %arg4[%add3A_44, %dma_wait3A_111, %dma_wait3A_112] : memref<2560x2x128xi32, #tpu.memory_space<hbm>> -> memref<1x2x128xi32, #tpu.memory_space<hbm>>
      %dma_wait3A_114 = tpu.memref_squeeze %dma_wait3A_113 : memref<1x2x128xi32, #tpu.memory_space<hbm>> -> memref<2x128xi32, #tpu.memory_space<hbm>>
      tpu.wait_dma2 semaphore(%arg15 : memref<!tpu.dma_semaphore, #tpu.memory_space<semaphore_mem>>) src(%dma_wait3A_114 : memref<2x128xi32, #tpu.memory_space<hbm>>) dst(%arg10 : memref<2x128xi32, #tpu.memory_space<vmem>>)
      %dma_start3A_115 = arith.constant 0 : i32
      %dma_start3A_116 = arith.constant 0 : i32
      %dma_start3A_117 = tpu.memref_slice %arg10[%dma_start3A_115, %dma_start3A_116] : memref<2x128xi32, #tpu.memory_space<vmem>> -> memref<1x128xi32, #tpu.memory_space<vmem>>
      %dma_start3A_118 = tpu.memref_squeeze %dma_start3A_117 : memref<1x128xi32, #tpu.memory_space<vmem>> -> memref<128xi32, #tpu.memory_space<vmem>>
      %dma_start3A_119 = arith.constant 0 : i32
      %dma_start3A_120 = arith.constant 0 : i32
      %dma_start3A_121 = tpu.memref_slice %arg12[%dma_start3A_119, %dma_start3A_120] : memref<20480x64xf32, #tpu.memory_space<vmem_shared>> -> memref<20480x64xf32, #tpu.memory_space<vmem_shared>>
      tpu.enqueue_indirect_dma source(%arg8 : memref<128x64xf32, #tpu.memory_space<vmem>>) target(%dma_start3A_121 : memref<20480x64xf32, #tpu.memory_space<vmem_shared>>) offsets(%dma_start3A_118 : memref<128xi32, #tpu.memory_space<vmem>>) semaphore(%arg17 : memref<!tpu.dma_semaphore, #tpu.memory_space<semaphore_mem>>) {add = true}
      %add3A_122 = arith.constant 2 : i32
      %add3A_123 = arith.addi %mul3A_80, %add3A_122 : i32
      %lt3A = arith.constant 80 : i32
      %lt3A_124 = arith.cmpi slt, %add3A_123, %lt3A : i32
      %convert_element_type3A_125 = arith.extui %lt3A_124 : i1 to i32
      %cond3A_126 = arith.constant 0 : i32
      %cond3A_127 = arith.cmpi ne, %convert_element_type3A_125, %cond3A_126 : i32
      scf.if %cond3A_127 {
        %dma_wait3A_148 = arith.constant 0 : i32
        %dma_wait3A_149 = arith.constant 0 : i32
        %dma_wait3A_150 = tpu.memref_slice %arg10[%dma_wait3A_148, %dma_wait3A_149] : memref<2x128xi32, #tpu.memory_space<vmem>> -> memref<1x128xi32, #tpu.memory_space<vmem>>
        %dma_wait3A_151 = tpu.memref_squeeze %dma_wait3A_150 : memref<1x128xi32, #tpu.memory_space<vmem>> -> memref<128xi32, #tpu.memory_space<vmem>>
        %dma_wait3A_152 = arith.constant 0 : i32
        %dma_wait3A_153 = arith.constant 0 : i32
        %dma_wait3A_154 = tpu.memref_slice %arg12[%dma_wait3A_152, %dma_wait3A_153] : memref<20480x64xf32, #tpu.memory_space<vmem_shared>> -> memref<20480x64xf32, #tpu.memory_space<vmem_shared>>
        tpu.wait_indirect_dma semaphore(%arg17 : memref<!tpu.dma_semaphore, #tpu.memory_space<semaphore_mem>>) src(%arg8 : memref<128x64xf32, #tpu.memory_space<vmem>>) dst(%dma_wait3A_154 : memref<20480x64xf32, #tpu.memory_space<vmem_shared>>)
        %add3A_155 = arith.constant 2 : i32
        %add3A_156 = arith.addi %mul3A_80, %add3A_155 : i32
        %mul3A_157 = arith.constant 128 : i32
        %mul3A_158 = arith.muli %add3A_156, %mul3A_157 : i32
        %dma_start3A_159 = tpu.memref_slice %arg7[%mul3A_158] : memref<10240xi32, #tpu.memory_space<vmem>> -> memref<128xi32, #tpu.memory_space<vmem>>
        %dma_start3A_160 = arith.constant 0 : i32
        %dma_start3A_161 = arith.constant 0 : i32
        %dma_start3A_162 = tpu.memref_slice %arg12[%dma_start3A_160, %dma_start3A_161] : memref<20480x64xf32, #tpu.memory_space<vmem_shared>> -> memref<20480x64xf32, #tpu.memory_space<vmem_shared>>
        tpu.enqueue_indirect_dma source(%dma_start3A_162 : memref<20480x64xf32, #tpu.memory_space<vmem_shared>>) target(%arg8 : memref<128x64xf32, #tpu.memory_space<vmem>>) offsets(%dma_start3A_159 : memref<128xi32, #tpu.memory_space<vmem>>) semaphore(%arg13 : memref<!tpu.dma_semaphore, #tpu.memory_space<semaphore_mem>>)
        %add3A_163 = arith.addi %add3A_44, %mul3A_80 : i32
        %add3A_164 = arith.constant 2 : i32
        %add3A_165 = arith.addi %add3A_163, %add3A_164 : i32
        %dma_start3A_166 = arith.constant 0 : i32
        %dma_start3A_167 = arith.constant 0 : i32
        %dma_start3A_168 = tpu.memref_slice %arg4[%add3A_165, %dma_start3A_166, %dma_start3A_167] : memref<2560x2x128xi32, #tpu.memory_space<hbm>> -> memref<1x2x128xi32, #tpu.memory_space<hbm>>
        %dma_start3A_169 = tpu.memref_squeeze %dma_start3A_168 : memref<1x2x128xi32, #tpu.memory_space<hbm>> -> memref<2x128xi32, #tpu.memory_space<hbm>>
        %dma_start3A_170 = arith.constant 0 : i32
        %dma_start3A_171 = arith.constant 0 : i32
        %dma_start3A_172 = tpu.memref_slice %arg4[%add3A_165, %dma_start3A_170, %dma_start3A_171] : memref<2560x2x128xi32, #tpu.memory_space<hbm>> -> memref<1x2x128xi32, #tpu.memory_space<hbm>>
        %dma_start3A_173 = tpu.memref_squeeze %dma_start3A_172 : memref<1x2x128xi32, #tpu.memory_space<hbm>> -> memref<2x128xi32, #tpu.memory_space<hbm>>
        tpu.enqueue_dma source(%dma_start3A_173 : memref<2x128xi32, #tpu.memory_space<hbm>>) target(%arg10 : memref<2x128xi32, #tpu.memory_space<vmem>>) target_semaphore(%arg15 : memref<!tpu.dma_semaphore, #tpu.memory_space<semaphore_mem>>)
      } else {
      }
      %dma_wait3A_128 = arith.constant 0 : i32
      %dma_wait3A_129 = tpu.memref_slice %arg7[%dma_wait3A_128] : memref<10240xi32, #tpu.memory_space<vmem>> -> memref<128xi32, #tpu.memory_space<vmem>>
      %dma_wait3A_130 = arith.constant 0 : i32
      %dma_wait3A_131 = arith.constant 0 : i32
      %dma_wait3A_132 = tpu.memref_slice %arg12[%dma_wait3A_130, %dma_wait3A_131] : memref<20480x64xf32, #tpu.memory_space<vmem_shared>> -> memref<20480x64xf32, #tpu.memory_space<vmem_shared>>
      tpu.wait_indirect_dma semaphore(%arg14 : memref<!tpu.dma_semaphore, #tpu.memory_space<semaphore_mem>>) src(%dma_wait3A_132 : memref<20480x64xf32, #tpu.memory_space<vmem_shared>>) dst(%arg9 : memref<128x64xf32, #tpu.memory_space<vmem>>)
      %dma_wait3A_133 = arith.constant 0 : i32
      %dma_wait3A_134 = arith.constant 0 : i32
      %dma_wait3A_135 = tpu.memref_slice %arg4[%add3A_44, %dma_wait3A_133, %dma_wait3A_134] : memref<2560x2x128xi32, #tpu.memory_space<hbm>> -> memref<1x2x128xi32, #tpu.memory_space<hbm>>
      %dma_wait3A_136 = tpu.memref_squeeze %dma_wait3A_135 : memref<1x2x128xi32, #tpu.memory_space<hbm>> -> memref<2x128xi32, #tpu.memory_space<hbm>>
      %dma_wait3A_137 = arith.constant 0 : i32
      %dma_wait3A_138 = arith.constant 0 : i32
      %dma_wait3A_139 = tpu.memref_slice %arg4[%add3A_44, %dma_wait3A_137, %dma_wait3A_138] : memref<2560x2x128xi32, #tpu.memory_space<hbm>> -> memref<1x2x128xi32, #tpu.memory_space<hbm>>
      %dma_wait3A_140 = tpu.memref_squeeze %dma_wait3A_139 : memref<1x2x128xi32, #tpu.memory_space<hbm>> -> memref<2x128xi32, #tpu.memory_space<hbm>>
      tpu.wait_dma2 semaphore(%arg16 : memref<!tpu.dma_semaphore, #tpu.memory_space<semaphore_mem>>) src(%dma_wait3A_140 : memref<2x128xi32, #tpu.memory_space<hbm>>) dst(%arg11 : memref<2x128xi32, #tpu.memory_space<vmem>>)
      %dma_start3A_141 = arith.constant 0 : i32
      %dma_start3A_142 = arith.constant 0 : i32
      %dma_start3A_143 = tpu.memref_slice %arg11[%dma_start3A_141, %dma_start3A_142] : memref<2x128xi32, #tpu.memory_space<vmem>> -> memref<1x128xi32, #tpu.memory_space<vmem>>
      %dma_start3A_144 = tpu.memref_squeeze %dma_start3A_143 : memref<1x128xi32, #tpu.memory_space<vmem>> -> memref<128xi32, #tpu.memory_space<vmem>>
      %dma_start3A_145 = arith.constant 0 : i32
      %dma_start3A_146 = arith.constant 0 : i32
      %dma_start3A_147 = tpu.memref_slice %arg12[%dma_start3A_145, %dma_start3A_146] : memref<20480x64xf32, #tpu.memory_space<vmem_shared>> -> memref<20480x64xf32, #tpu.memory_space<vmem_shared>>
      tpu.enqueue_indirect_dma source(%arg9 : memref<128x64xf32, #tpu.memory_space<vmem>>) target(%dma_start3A_147 : memref<20480x64xf32, #tpu.memory_space<vmem_shared>>) offsets(%dma_start3A_144 : memref<128xi32, #tpu.memory_space<vmem>>) semaphore(%arg18 : memref<!tpu.dma_semaphore, #tpu.memory_space<semaphore_mem>>) {add = true}
    }
    %scan3A_62 = arith.constant 40 : i32
    %dma_wait3A_63 = arith.constant 0 : i32
    %dma_wait3A_64 = arith.constant 0 : i32
    %dma_wait3A_65 = tpu.memref_slice %arg10[%dma_wait3A_63, %dma_wait3A_64] : memref<2x128xi32, #tpu.memory_space<vmem>> -> memref<1x128xi32, #tpu.memory_space<vmem>>
    %dma_wait3A_66 = tpu.memref_squeeze %dma_wait3A_65 : memref<1x128xi32, #tpu.memory_space<vmem>> -> memref<128xi32, #tpu.memory_space<vmem>>
    %dma_wait3A_67 = arith.constant 0 : i32
    %dma_wait3A_68 = arith.constant 0 : i32
    %dma_wait3A_69 = tpu.memref_slice %arg12[%dma_wait3A_67, %dma_wait3A_68] : memref<20480x64xf32, #tpu.memory_space<vmem_shared>> -> memref<20480x64xf32, #tpu.memory_space<vmem_shared>>
    tpu.wait_indirect_dma semaphore(%arg17 : memref<!tpu.dma_semaphore, #tpu.memory_space<semaphore_mem>>) src(%arg8 : memref<128x64xf32, #tpu.memory_space<vmem>>) dst(%dma_wait3A_69 : memref<20480x64xf32, #tpu.memory_space<vmem_shared>>)
    %dma_wait3A_70 = arith.constant 0 : i32
    %dma_wait3A_71 = arith.constant 0 : i32
    %dma_wait3A_72 = tpu.memref_slice %arg11[%dma_wait3A_70, %dma_wait3A_71] : memref<2x128xi32, #tpu.memory_space<vmem>> -> memref<1x128xi32, #tpu.memory_space<vmem>>
    %dma_wait3A_73 = tpu.memref_squeeze %dma_wait3A_72 : memref<1x128xi32, #tpu.memory_space<vmem>> -> memref<128xi32, #tpu.memory_space<vmem>>
    %dma_wait3A_74 = arith.constant 0 : i32
    %dma_wait3A_75 = arith.constant 0 : i32
    %dma_wait3A_76 = tpu.memref_slice %arg12[%dma_wait3A_74, %dma_wait3A_75] : memref<20480x64xf32, #tpu.memory_space<vmem_shared>> -> memref<20480x64xf32, #tpu.memory_space<vmem_shared>>
    tpu.wait_indirect_dma semaphore(%arg18 : memref<!tpu.dma_semaphore, #tpu.memory_space<semaphore_mem>>) src(%arg9 : memref<128x64xf32, #tpu.memory_space<vmem>>) dst(%dma_wait3A_76 : memref<20480x64xf32, #tpu.memory_space<vmem_shared>>)
    %barrier3A_77 = arith.constant 0 : index
    tpu.barrier barrier_id(%barrier3A_77)
    "tpu.region"() ({
      %run_scoped3A = tpu.sem_alloc : memref<!tpu.dma_semaphore, #tpu.memory_space<semaphore_mem>>
      %dma_start3A_78 = arith.constant 0 : i32
      %dma_start3A_79 = arith.constant 0 : i32
      %dma_start3A_80 = tpu.memref_slice %arg6[%arg0, %dma_start3A_78, %dma_start3A_79] : memref<2x10240x64xf32, #tpu.memory_space<hbm>> -> memref<1x10240x64xf32, #tpu.memory_space<hbm>>
      %dma_start3A_81 = tpu.memref_squeeze %dma_start3A_80 : memref<1x10240x64xf32, #tpu.memory_space<hbm>> -> memref<10240x64xf32, #tpu.memory_space<hbm>>
      %dma_start3A_82 = arith.constant 0 : i32
      %dma_start3A_83 = tpu.memref_slice %dma_start3A_81[%mul3A_4, %dma_start3A_82] : memref<10240x64xf32, #tpu.memory_space<hbm>> -> memref<640x64xf32, #tpu.memory_space<hbm>>
      %dma_start3A_84 = arith.constant 0 : i32
      %dma_start3A_85 = tpu.memref_slice %arg12[%add3A_7, %dma_start3A_84] : memref<20480x64xf32, #tpu.memory_space<vmem_shared>> -> memref<640x64xf32, #tpu.memory_space<vmem_shared>>
      tpu.enqueue_dma source(%dma_start3A_85 : memref<640x64xf32, #tpu.memory_space<vmem_shared>>) target(%dma_start3A_83 : memref<640x64xf32, #tpu.memory_space<hbm>>) target_semaphore(%run_scoped3A : memref<!tpu.dma_semaphore, #tpu.memory_space<semaphore_mem>>)
      %dma_wait3A_86 = arith.constant 0 : i32
      %dma_wait3A_87 = arith.constant 0 : i32
      %dma_wait3A_88 = tpu.memref_slice %arg6[%arg0, %dma_wait3A_86, %dma_wait3A_87] : memref<2x10240x64xf32, #tpu.memory_space<hbm>> -> memref<1x10240x64xf32, #tpu.memory_space<hbm>>
      %dma_wait3A_89 = tpu.memref_squeeze %dma_wait3A_88 : memref<1x10240x64xf32, #tpu.memory_space<hbm>> -> memref<10240x64xf32, #tpu.memory_space<hbm>>
      %dma_wait3A_90 = arith.constant 0 : i32
      %dma_wait3A_91 = tpu.memref_slice %dma_wait3A_89[%mul3A_4, %dma_wait3A_90] : memref<10240x64xf32, #tpu.memory_space<hbm>> -> memref<640x64xf32, #tpu.memory_space<hbm>>
      %dma_wait3A_92 = arith.constant 0 : i32
      %dma_wait3A_93 = tpu.memref_slice %arg12[%add3A_7, %dma_wait3A_92] : memref<20480x64xf32, #tpu.memory_space<vmem_shared>> -> memref<640x64xf32, #tpu.memory_space<vmem_shared>>
      tpu.wait_dma2 semaphore(%run_scoped3A : memref<!tpu.dma_semaphore, #tpu.memory_space<semaphore_mem>>) src(%dma_wait3A_93 : memref<640x64xf32, #tpu.memory_space<vmem_shared>>) dst(%dma_wait3A_91 : memref<640x64xf32, #tpu.memory_space<hbm>>)
      tpu.yield
    }) : () -> ()
    return
  }
}

module attributes {stable_mosaic.version = 14 : i64} {
  func.func @_relu_body(%arg0: i32, %arg1: memref<2x1024x64xf32, #tpu.memory_space<vmem>>, %arg2: memref<1024x128xf32, #tpu.memory_space<vmem>>, %arg3: memref<128x128xf32, #tpu.memory_space<vmem>>, %arg4: memref<128xf32, #tpu.memory_space<vmem>>, %arg5: memref<128x128xf32, #tpu.memory_space<vmem>>, %arg6: memref<128x128xf32, #tpu.memory_space<vmem>>, %arg7: memref<128x128xf32, #tpu.memory_space<vmem>>, %arg8: memref<1x128xf32, #tpu.memory_space<vmem>>, %arg9: memref<2x1024xf32, #tpu.memory_space<vmem>>) attributes {dimension_semantics = [#tpu.dimension_semantics<arbitrary>], iteration_bounds = array<i64: 10>, scalar_prefetch = 0 : i64, scratch_operands = 0 : i64, tpu.core_type = #tpu.core_type<tc>, window_params = [{transform_indices = @transform_0, window_bounds = array<i64: 2, 1024, 64>}, {transform_indices = @transform_1, window_bounds = array<i64: 1024, 128>}, {pipeline_mode = #tpu.pipeline_mode<synchronous>, transform_indices = @transform_2, window_bounds = array<i64: 128, 128>}, {pipeline_mode = #tpu.pipeline_mode<synchronous>, transform_indices = @transform_3, window_bounds = array<i64: 128>}, {pipeline_mode = #tpu.pipeline_mode<synchronous>, transform_indices = @transform_4, window_bounds = array<i64: 128, 128>}, {pipeline_mode = #tpu.pipeline_mode<synchronous>, transform_indices = @transform_5, window_bounds = array<i64: 128, 128>}, {pipeline_mode = #tpu.pipeline_mode<synchronous>, transform_indices = @transform_6, window_bounds = array<i64: 128, 128>}, {pipeline_mode = #tpu.pipeline_mode<synchronous>, transform_indices = @transform_7, window_bounds = array<i64: 1, 128>}, {transform_indices = @transform_8, window_bounds = array<i64: 2, 1024>}]} {
    %get3A = arith.constant 0 : index
    %get3A_0 = arith.constant 0 : index
    %get3A_1 = arith.constant 0 : index
    %get3A_2 = vector.load %arg1[%get3A, %get3A_0, %get3A_1] : memref<2x1024x64xf32, #tpu.memory_space<vmem>>, vector<1x1024x64xf32>
    %get3A_3 = vector.shape_cast %get3A_2 : vector<1x1024x64xf32> to vector<1024x64xf32>
    %get3A_4 = arith.constant 1 : index
    %get3A_5 = arith.constant 0 : index
    %get3A_6 = arith.constant 0 : index
    %get3A_7 = vector.load %arg1[%get3A_4, %get3A_5, %get3A_6] : memref<2x1024x64xf32, #tpu.memory_space<vmem>>, vector<1x1024x64xf32>
    %get3A_8 = vector.shape_cast %get3A_7 : vector<1x1024x64xf32> to vector<1024x64xf32>
    %concatenate3A = tpu.concatenate %get3A_3, %get3A_8 in 1 : vector<1024x64xf32>, vector<1024x64xf32> -> vector<1024x128xf32>
    %get3A_9 = arith.constant 0 : index
    %get3A_10 = arith.constant 0 : index
    %get3A_11 = vector.load %arg3[%get3A_9, %get3A_10] : memref<128x128xf32, #tpu.memory_space<vmem>>, vector<128x128xf32>
    %dot_general3A = arith.constant dense<0.000000e+00> : vector<1024x128xf32>
    %dot_general3A_12 = tpu.matmul %concatenate3A, %get3A_11, %dot_general3A {dimension_numbers = #tpu.dot_dimension_numbers<[1], [1], [0], [0], [0, 0, 1, 0], [], []>, transpose_lhs_hint = false} : vector<1024x128xf32>, vector<128x128xf32>, vector<1024x128xf32> -> vector<1024x128xf32>
    %get3A_13 = arith.constant 0 : index
    %get3A_14 = arith.constant 0 : index
    %get3A_15 = vector.load %arg2[%get3A_13, %get3A_14] : memref<1024x128xf32, #tpu.memory_space<vmem>>, vector<1024x128xf32>
    %get3A_16 = arith.constant 0 : index
    %get3A_17 = arith.constant 0 : index
    %get3A_18 = vector.load %arg5[%get3A_16, %get3A_17] : memref<128x128xf32, #tpu.memory_space<vmem>>, vector<128x128xf32>
    %dot_general3A_19 = arith.constant dense<0.000000e+00> : vector<1024x128xf32>
    %dot_general3A_20 = tpu.matmul %get3A_15, %get3A_18, %dot_general3A_19 {dimension_numbers = #tpu.dot_dimension_numbers<[1], [1], [0], [0], [0, 0, 1, 0], [], []>, transpose_lhs_hint = false} : vector<1024x128xf32>, vector<128x128xf32>, vector<1024x128xf32> -> vector<1024x128xf32>
    %get3A_21 = arith.constant 0 : index
    %get3A_22 = vector.load %arg4[%get3A_21] : memref<128xf32, #tpu.memory_space<vmem>>, vector<128xf32>
    %broadcast_in_dim3A = vector.shape_cast %get3A_22 : vector<128xf32> to vector<1x128xf32>
    %add3A = vector.broadcast %broadcast_in_dim3A : vector<1x128xf32> to vector<1024x128xf32>
    %add3A_23 = arith.addf %dot_general3A_12, %add3A : vector<1024x128xf32>
    %add3A_24 = arith.addf %add3A_23, %dot_general3A_20 : vector<1024x128xf32>
    %max3A = arith.constant 0.000000e+00 : f32
    %max3A_25 = vector.broadcast %max3A : f32 to vector<1024x128xf32>
    %max3A_26 = arith.maximumf %add3A_24, %max3A_25 : vector<1024x128xf32>
    %get3A_27 = arith.constant 0 : index
    %get3A_28 = arith.constant 0 : index
    %get3A_29 = vector.load %arg8[%get3A_27, %get3A_28] : memref<1x128xf32, #tpu.memory_space<vmem>>, vector<1x128xf32>
    %get3A_30 = arith.constant 0 : index
    %get3A_31 = arith.constant 0 : index
    %get3A_32 = vector.load %arg6[%get3A_30, %get3A_31] : memref<128x128xf32, #tpu.memory_space<vmem>>, vector<128x128xf32>
    %dot_general3A_33 = arith.constant dense<0.000000e+00> : vector<1x128xf32>
    %dot_general3A_34 = tpu.matmul %get3A_29, %get3A_32, %dot_general3A_33 {dimension_numbers = #tpu.dot_dimension_numbers<[1], [0], [0], [1], [0, 0, 1, 1], [], []>, precision = #tpu.contract_precision<fp32>, transpose_lhs_hint = false} : vector<1x128xf32>, vector<128x128xf32>, vector<1x128xf32> -> vector<1x128xf32>
    %get3A_35 = arith.constant 0 : index
    %get3A_36 = arith.constant 0 : index
    %get3A_37 = vector.load %arg8[%get3A_35, %get3A_36] : memref<1x128xf32, #tpu.memory_space<vmem>>, vector<1x128xf32>
    %get3A_38 = arith.constant 0 : index
    %get3A_39 = arith.constant 0 : index
    %get3A_40 = vector.load %arg7[%get3A_38, %get3A_39] : memref<128x128xf32, #tpu.memory_space<vmem>>, vector<128x128xf32>
    %dot_general3A_41 = arith.constant dense<0.000000e+00> : vector<1x128xf32>
    %dot_general3A_42 = tpu.matmul %get3A_37, %get3A_40, %dot_general3A_41 {dimension_numbers = #tpu.dot_dimension_numbers<[1], [0], [0], [1], [0, 0, 1, 1], [], []>, precision = #tpu.contract_precision<fp32>, transpose_lhs_hint = false} : vector<1x128xf32>, vector<128x128xf32>, vector<1x128xf32> -> vector<1x128xf32>
    %concatenate3A_43 = tpu.concatenate %dot_general3A_34, %dot_general3A_42 in 0 : vector<1x128xf32>, vector<1x128xf32> -> vector<2x128xf32>
    %dot_general3A_44 = arith.constant dense<0.000000e+00> : vector<2x1024xf32>
    %dot_general3A_45 = tpu.matmul %concatenate3A_43, %max3A_26, %dot_general3A_44 {dimension_numbers = #tpu.dot_dimension_numbers<[1], [1], [0], [0], [0, 0, 1, 0], [], []>, precision = #tpu.contract_precision<fp32>, transpose_lhs_hint = false} : vector<2x128xf32>, vector<1024x128xf32>, vector<2x1024xf32> -> vector<2x1024xf32>
    %swap3A = arith.constant 0 : index
    %swap3A_46 = arith.constant 0 : index
    %swap3A_47 = vector.load %arg9[%swap3A, %swap3A_46] : memref<2x1024xf32, #tpu.memory_space<vmem>>, vector<2x1024xf32>
    tpu.vector_store %arg9[%swap3A, %swap3A_46], %dot_general3A_45 {strides = array<i32>} : memref<2x1024xf32, #tpu.memory_space<vmem>>, vector<2x1024xf32>,
    return
  }
  func.func @transform_0(%arg0: i32) -> (i32, i32, i32) {
    %c0_i32 = arith.constant 0 : i32
    %c0_i32_0 = arith.constant 0 : i32
    %c0_i32_1 = arith.constant 0 : i32
    return %c0_i32, %arg0, %c0_i32_0 : i32, i32, i32
  }
  func.func @transform_1(%arg0: i32) -> (i32, i32) {
    %c0_i32 = arith.constant 0 : i32
    %c0_i32_0 = arith.constant 0 : i32
    return %arg0, %c0_i32 : i32, i32
  }
  func.func @transform_2(%arg0: i32) -> (i32, i32) {
    %c0_i32 = arith.constant 0 : i32
    %c0_i32_0 = arith.constant 0 : i32
    %c0_i32_1 = arith.constant 0 : i32
    return %c0_i32, %c0_i32_0 : i32, i32
  }
  func.func @transform_3(%arg0: i32) -> i32 {
    %c0_i32 = arith.constant 0 : i32
    %c0_i32_0 = arith.constant 0 : i32
    return %c0_i32 : i32
  }
  func.func @transform_4(%arg0: i32) -> (i32, i32) {
    %c0_i32 = arith.constant 0 : i32
    %c0_i32_0 = arith.constant 0 : i32
    %c0_i32_1 = arith.constant 0 : i32
    return %c0_i32, %c0_i32_0 : i32, i32
  }
  func.func @transform_5(%arg0: i32) -> (i32, i32) {
    %c0_i32 = arith.constant 0 : i32
    %c0_i32_0 = arith.constant 0 : i32
    %c0_i32_1 = arith.constant 0 : i32
    return %c0_i32, %c0_i32_0 : i32, i32
  }
  func.func @transform_6(%arg0: i32) -> (i32, i32) {
    %c0_i32 = arith.constant 0 : i32
    %c0_i32_0 = arith.constant 0 : i32
    %c0_i32_1 = arith.constant 0 : i32
    return %c0_i32, %c0_i32_0 : i32, i32
  }
  func.func @transform_7(%arg0: i32) -> (i32, i32) {
    %c0_i32 = arith.constant 0 : i32
    %c0_i32_0 = arith.constant 0 : i32
    %c0_i32_1 = arith.constant 0 : i32
    return %c0_i32, %c0_i32_0 : i32, i32
  }
  func.func @transform_8(%arg0: i32) -> (i32, i32) {
    %c0_i32 = arith.constant 0 : i32
    %c0_i32_0 = arith.constant 0 : i32
    return %c0_i32, %arg0 : i32, i32
  }
}

module attributes {stable_mosaic.version = 14 : i64} {
  func.func @_final_body(%arg0: memref<32x64x16xf32, #tpu.memory_space<vmem>>, %arg1: memref<32x64x16xf32, #tpu.memory_space<vmem>>, %arg2: memref<128xf32, #tpu.memory_space<vmem>>, %arg3: memref<1x128xf32, #tpu.memory_space<vmem>>, %arg4: memref<1xf32, #tpu.memory_space<vmem>>, %arg5: memref<1x64xf32, #tpu.memory_space<vmem>>) attributes {dimension_semantics = [], scalar_prefetch = 0 : i64, scratch_operands = 0 : i64, tpu.core_type = #tpu.core_type<tc>} {
    %get3A = arith.constant 0 : index
    %get3A_0 = arith.constant 0 : index
    %get3A_1 = arith.constant 0 : index
    %get3A_2 = vector.load %arg0[%get3A, %get3A_0, %get3A_1] : memref<32x64x16xf32, #tpu.memory_space<vmem>>, vector<32x64x16xf32>
    %reduce_sum3A = arith.constant dense<0.000000e+00> : vector<64xf32>
    %reduce_sum3A_3 = vector.multi_reduction <add>, %get3A_2, %reduce_sum3A [0, 2] : vector<32x64x16xf32> to vector<64xf32>
    %get3A_4 = arith.constant 0 : index
    %get3A_5 = arith.constant 0 : index
    %get3A_6 = arith.constant 0 : index
    %get3A_7 = vector.load %arg1[%get3A_4, %get3A_5, %get3A_6] : memref<32x64x16xf32, #tpu.memory_space<vmem>>, vector<32x64x16xf32>
    %reduce_sum3A_8 = arith.constant dense<0.000000e+00> : vector<64xf32>
    %reduce_sum3A_9 = vector.multi_reduction <add>, %get3A_7, %reduce_sum3A_8 [0, 2] : vector<32x64x16xf32> to vector<64xf32>
    %get3A_10 = arith.constant 0 : index
    %get3A_11 = vector.load %arg2[%get3A_10] : memref<128xf32, #tpu.memory_space<vmem>>, vector<128xf32>
    %get3A_12 = arith.constant 0 : index
    %get3A_13 = arith.constant 0 : index
    %get3A_14 = vector.load %arg3[%get3A_12, %get3A_13] : memref<1x128xf32, #tpu.memory_space<vmem>>, vector<1x128xf32>
    %squeeze3A = vector.shape_cast %get3A_14 : vector<1x128xf32> to vector<128xf32>
    %mul3A = arith.mulf %get3A_11, %squeeze3A : vector<128xf32>
    %reduce_sum3A_15 = vector.shape_cast %mul3A : vector<128xf32> to vector<1x128xf32>
    %reduce_sum3A_16 = arith.constant dense<0.000000e+00> : vector<1xf32>
    %reduce_sum3A_17 = vector.multi_reduction <add>, %reduce_sum3A_15, %reduce_sum3A_16 [1] : vector<1x128xf32> to vector<1xf32>
    %reduce_sum3A_18 = vector.shape_cast %reduce_sum3A_17 : vector<1xf32> to vector<1x1xf32>
    %reduce_sum3A_19 = vector.extract %reduce_sum3A_18[0, 0] : f32 from vector<1x1xf32>
    %gt3A = arith.constant 0.000000e+00 : f32
    %gt3A_20 = vector.broadcast %gt3A : f32 to vector<64xf32>
    %gt3A_21 = arith.cmpf ogt, %reduce_sum3A_9, %gt3A_20 : vector<64xf32>
    %max3A = arith.constant 1.000000e+00 : f32
    %max3A_22 = vector.broadcast %max3A : f32 to vector<64xf32>
    %max3A_23 = arith.maximumf %reduce_sum3A_9, %max3A_22 : vector<64xf32>
    %div3A = arith.divf %reduce_sum3A_3, %max3A_23 : vector<64xf32>
    %add3A = vector.broadcast %reduce_sum3A_19 : f32 to vector<64xf32>
    %add3A_24 = arith.addf %div3A, %add3A : vector<64xf32>
    %jit3A = arith.constant 0.000000e+00 : f32
    %broadcast_in_dim3A = vector.broadcast %jit3A : f32 to vector<64xf32>
    %select_n3A = arith.select %gt3A_21, %add3A_24, %broadcast_in_dim3A : vector<64xi1>, vector<64xf32>
    %get3A_25 = arith.constant 0 : index
    %get3A_26 = vector.load %arg4[%get3A_25] : memref<1xf32, #tpu.memory_space<vmem>>, vector<1xf32>
    %get3A_27 = vector.extract %get3A_26[0] : f32 from vector<1xf32>
    %add3A_28 = vector.broadcast %get3A_27 : f32 to vector<64xf32>
    %add3A_29 = arith.addf %select_n3A, %add3A_28 : vector<64xf32>
    %broadcast_in_dim3A_30 = vector.shape_cast %add3A_29 : vector<64xf32> to vector<1x64xf32>
    %swap3A = arith.constant 0 : index
    %swap3A_31 = arith.constant 0 : index
    %swap3A_32 = vector.load %arg5[%swap3A, %swap3A_31] : memref<1x64xf32, #tpu.memory_space<vmem>>, vector<1x64xf32>
    tpu.vector_store %arg5[%swap3A, %swap3A_31], %broadcast_in_dim3A_30 {strides = array<i32>} : memref<1x64xf32, #tpu.memory_space<vmem>>, vector<1x64xf32>,
    return
  }
}

</mosaic_0001>

<sc_bundles>
// kernel: kernel.6.cloned.1.call-start
scs
__scs_entry_jumppad:
0x0: {  	(pc) =	sbr.rel $0x88, $3  }
0x1: {  	(tag) =	ssettag $0x0;
	lr =	simm.s32 $0x1  }
0x2: {  	[smem:$0x3F95] =	sst lr;
	_ =	strace $0xD0000000  }
0x3: {  	_ = 	snop  }
0x4: {  	_ = 	snop  }
0x5: {  	_ = 	snop  }
0x6: {  	_ = 	snop  }
0x7: {  	_ = 	snop  }
__scs_overlays_trampoline_lowered:
0x8: {  	[smem:$0x3FA4] =	sst s0  }
0x9: {  	[smem:$0x3FA5] =	sst s1  }
0xa: {  	[smem:$0x3FA6] =	sst s2  }
0xb: {  	[smem:$0x3FA7] =	sst s3  }
0xc: {  	[smem:$0x3FA8] =	sst s4  }
0xd: {  	[smem:$0x3FA9] =	sst s5  }
0xe: {  	[smem:$0x3FAA] =	sst s6  }
0xf: {  	[smem:$0x3FAB] =	sst s7  }
0x10: {  	[smem:$0x3FAC] =	sst s8  }
0x11: {  	[smem:$0x3FAD] =	sst s9;
	s0 =	simm.s32 @!p0 $0x0  }
0x12: {  	s1 =	sld [smem:$0x3F93];
	s0 =	simm.s32 @p0 $0x1  }
0x13: {  	[smem:$0x3FAE] =	sst s0;
	s0 =	simm.s32 @!p1 $0x0  }
0x14: {  	s2 =	sld [smem:$0x3F92];
	s0 =	simm.s32 @p1 $0x1  }
0x15: {  	[smem:$0x3FAF] =	sst s0;
	s0 =	simm.s32 @!p2 $0x0  }
0x16: {  	s3 =	sld [smem:$0x3FDB];
	s0 =	simm.s32 @p2 $0x1  }
0x17: {  	s4 =	simm.s32 $0x1BF5;
	[smem:$0x3FB1] =	sst s0  }
0x18: {  	s0 =	sld [smem:$0x3F94];
	_ =	swait.ge [sflag:s4], $0x0  }
0x19: {  	s7 =	sld [smem:$0x3F95]  }
0x1a: {  	s8 =	sadd.s32 $0xFFFFE003, lr  }
0x1b: {  	s9 =	sadd.s32 $0xFFFFFEF7, lr;
	s5 =	simm.s32 $0xFFFFFFFF;
	p2 =	slt.u32 s8, $0xFFFFF086  }
0x1c: {  	p1 =	slt.u32 s9, $0xF7A;
	s5 =	simm.s32 @!p2 $0x0  }
0x1d: {  	s5 =	simm.s32 @p1 $0x1;
	p0 =	seq.s32 s7, s2  }
0x1e: {  	s7 =	smul.u32 @!p0 $0xF7A, s2;
	p2 =	seq.s32 @!p0 s5, $0x0  }
0x1f: {  	s9 =	smul.u32 $0xF7A, s1;
	s8 =	simm.s32 @!p0 $0x1BF5;
	p2 =	por !p2, p0  }
0x20: {  	[sflag:s8] =	ssyncset.s32 @!p0 $0xFFFFF086;
	s6 =	sadd.s32 @!p0 s3, s7;
	s7 =	simm.s32 @!p0 $0x108  }
0x21: {  	s3 =	sadd.s32 s3, s9;
	s6 =	sadd.s32 @!p0 $0x88, s6;
	s7 =	simm.s32 @p2 $0x1082  }
0x22: {  	[simem:s7], [sflag:s8] =	dma.local @!p0 [hbm:s6], $0xF7A  }
0x23: {  	s9 =	sor.u32 $0xD0000000, s2;
	s6 =	simm.s32 $0x108;
	_ =	swait.ge @!p0 [sflag:s8], $0x0  }
0x24: {  	s3 =	sadd.s32 $0x88, s3;
	s6 =	simm.s32 @!p1 $0x1082;
	[sflag:s4] =	ssyncset.s32 $0xFFFFF086  }
0x25: {  	[simem:s6], [sflag:s4] =	dma.local [hbm:s3], $0xF7A  }
0x26: {  	[smem:$0x3F95] =	sst s1;
	(tag) =	ssettag s2;
	_ =	strace s9  }
0x27: {  	s1 =	sld [smem:$0x3FA5]  }
0x28: {  	s2 =	sld [smem:$0x3FA6]  }
0x29: {  	s4 =	sld [smem:$0x3FA8]  }
0x2a: {  	p0 =	seq.s32 s5, $0x0;
	s5 =	sld [smem:$0x3FA9]  }
0x2b: {  	s6 =	sld [smem:$0x3FAA]  }
0x2c: {  	s7 =	sld [smem:$0x3FAB]  }
0x2d: {  	s3 =	simm.s32 $0x108;
	s8 =	sld [smem:$0x3FAC]  }
0x2e: {  	s3 =	simm.s32 @!p0 $0x1082;
	s9 =	sld [smem:$0x3FAD]  }
0x2f: {  	lr =	sadd.s32 s0, s3;
	s0 =	sld [smem:$0x3FA4]  }
0x30: {  	s3 =	sld [smem:$0x3FA7]  }
0x31: {  	[smem:$0x3FB0] =	sst s10  }
0x32: {  	s10 =	sld [smem:$0x3FAE];
	_ =	sdelay $0x3  }
0x33: {  	p0 =	seq.s32 s10, $0x1;
	s10 =	sld [smem:$0x3FB0];
	_ =	sdelay $0x3  }
0x34: {  	[smem:$0x3FB0] =	sst s10  }
0x35: {  	s10 =	sld [smem:$0x3FAF];
	_ =	sdelay $0x3  }
0x36: {  	p1 =	seq.s32 s10, $0x1;
	s10 =	sld [smem:$0x3FB0];
	_ =	sdelay $0x3  }
0x37: {  	[smem:$0x3FB0] =	sst s10  }
0x38: {  	s10 =	sld [smem:$0x3FB1]  }
0x39: {  	_ = 	snop;
	(pc) =	sbr.ind lr, $3  }
0x3a: {  	_ = 	snop  }
0x3b: {  	_ = 	snop  }
0x3c: {  	p2 =	seq.s32 s10, $0x1;
	s10 =	sld [smem:$0x3FB0]  }
0x3d: {  	_ =	shalt  }
0x3e: {  	_ =	shalt  }
0x3f: {  	_ =	shalt  }
0x40: {  	_ =	shalt  }
0x41: {  	_ =	shalt  }
0x42: {  	_ =	shalt  }
0x43: {  	_ =	shalt  }
0x44: {  	_ =	shalt  }
0x45: {  	_ =	shalt  }
0x46: {  	_ =	shalt  }
0x47: {  	_ =	shalt  }
0x48: {  	_ =	shalt  }
0x49: {  	_ =	shalt  }
0x4a: {  	_ =	shalt  }
0x4b: {  	_ =	shalt  }
0x4c: {  	_ =	shalt  }
0x4d: {  	_ =	shalt  }
0x4e: {  	_ =	shalt  }
0x4f: {  	_ =	shalt  }
0x50: {  	_ =	shalt  }
0x51: {  	_ =	shalt  }
0x52: {  	_ =	shalt  }
0x53: {  	_ =	shalt  }
0x54: {  	_ =	shalt  }
0x55: {  	_ =	shalt  }
0x56: {  	_ =	shalt  }
0x57: {  	_ =	shalt  }
0x58: {  	_ =	shalt  }
0x59: {  	_ =	shalt  }
0x5a: {  	_ =	shalt  }
0x5b: {  	_ =	shalt  }
0x5c: {  	_ =	shalt  }
0x5d: {  	_ =	shalt  }
0x5e: {  	_ =	shalt  }
0x5f: {  	_ =	shalt  }
0x60: {  	_ =	shalt  }
0x61: {  	_ =	shalt  }
0x62: {  	_ =	shalt  }
0x63: {  	_ =	shalt  }
0x64: {  	_ =	shalt  }
0x65: {  	_ =	shalt  }
0x66: {  	_ =	shalt  }
0x67: {  	_ =	shalt  }
0x68: {  	_ =	shalt  }
0x69: {  	_ =	shalt  }
0x6a: {  	_ =	shalt  }
0x6b: {  	_ =	shalt  }
0x6c: {  	_ =	shalt  }
0x6d: {  	_ =	shalt  }
0x6e: {  	_ =	shalt  }
0x6f: {  	_ =	shalt  }
0x70: {  	_ =	shalt  }
0x71: {  	_ =	shalt  }
0x72: {  	_ =	shalt  }
0x73: {  	_ =	shalt  }
0x74: {  	_ =	shalt  }
0x75: {  	_ =	shalt  }
0x76: {  	_ =	shalt  }
0x77: {  	_ =	shalt  }
0x78: {  	_ =	shalt  }
0x79: {  	_ =	shalt  }
0x7a: {  	_ =	shalt  }
0x7b: {  	_ =	shalt  }
0x7c: {  	_ =	shalt  }
0x7d: {  	_ =	shalt  }
0x7e: {  	_ =	shalt  }
0x7f: {  	_ =	shalt  }
0x80: {  	_ =	shalt  }
0x81: {  	_ =	shalt  }
0x82: {  	_ =	shalt  }
0x83: {  	_ =	shalt  }
0x84: {  	_ =	shalt  }
0x85: {  	_ =	shalt  }
0x86: {  	_ =	shalt  }
0x87: {  	_ =	shalt  }
.Lfunc_end0:
.L_simem_size_0:
called_computation_lowered:
.L_overlay_start_0:
0x88: {  	s2 =	sld [smem:$0x3FD9]  }
0x89: {  	s3 =	sld [smem:$0x3FFE];
	_ =	sdelay $0x1  }
0x8a: {  	s1 =	srdreg.scid  }
0x8b: {  	s0 =	sand.u32 $0x1, s1  }
0x8c: {  	s16 =	sshll.u32 s0, $0xA;
	s2 =	sadd.s32 s3, s2  }
0x8d: {  	s2 =	sadd.s32 s2, s16  }
0x8e: {  	[smem:$0x3FBC] =	sst s2  }
0x8f: {  	_ = 	snop  }
0x90: {  	(tm) =	ssettm $0x1  }
0x91: {  	s17 =	sld [smem:$0x3FFB];
	_ =	sdelay $0x3  }
0x92: {  	_ =	strace s17  }
0x93: {  	s2 =	sld [smem:$0x3FFC];
	_ =	sdelay $0x3  }
0x94: {  	_ =	strace s2  }
0x95: {  	s2 =	sld [smem:$0x3FFD];
	_ =	sdelay $0x3  }
0x96: {  	_ =	strace s2  }
0x97: {  	_ =	strace $0x8FFFFFFF  }
0x98: {  	s18 =	sld [smem:$0x3FDB];
	_ =	sdelay $0x1  }
0x99: {  	s19 =	simm.s32 $_scs_section_size  }
0x9a: {  	s4 =	simm.s32 $_size__tile_overlayer_lowered;
	s5 =	simm.s32 $_tile_overlayer_lowered  }
0x9b: {  	s22 =	simm.s32 $0x1BFF;
	s21 =	sshll.u32 s5, $0x1;
	s2 =	sadd.s32 s19, s18  }
0x9c: {  	s6 =	simm.s32 $0x0;
	s20 =	sshll.u32 s4, $0x1;
	s4 =	sadd.s32 s21, s2  }
0x9d: {  	[timem:s6], [sflag:s22] =	dma.local [hbm:s4], s20  }
0x9e: {  	_ =	swait.ge [sflag:s22], s20  }
0x9f: {  	s3 =	ssub.s32 $0x0, s20;
	[sflag:s22] =	ssyncset.done $0x0  }
0xa0: {  	[sflag:s22] =	ssyncadd.s32 s3;
	_ =	sdelay $0x1  }
0xa1: {  	s23 =	simm.s32 $0x1B8B  }
0xa2: {  	_ =	swait.ge [sflag:s23], $0x1  }
0xa3: {  	[sflag:s23] =	ssyncset.done $0x0  }
0xa4: {  	s25 =	simm.s32 $0x1B8E;
	s24 =	sld [smem:$0x3FFE];
	[sflag:s23] =	ssyncadd.s32 $0xFFFFFFFF  }
0xa5: {  	s26 =	simm.s32 $execute0_lowered;
	[smem:$0x3FD2] =	sst s25  }
0xa6: {  	s4 =	sshll.u32 s26, $0x1;
	_ =	strace $0x80000046;
	[dreg:$0x1] =	wrdreg $0xFFFFFFFF  }
0xa7: {  	s28 =	simm.s32 $_size_execute0_lowered;
	s2 =	sadd.s32 s2, s4;
	[dreg:$0x0] =	wrdreg $0x0  }
0xa8: {  	s4 =	sshll.u32 s28, $0x1;
	[dreg:$0x2] =	wrdreg s2  }
0xa9: {  	[dreg:$0x3] =	wrdreg s4  }
0xaa: {  	[dreg:$0x4] =	wrdreg $0xC0  }
0xab: {  	_ =	task [dreg:s6], $0x5FFFF  }
0xac: {  	[dreg:$0x1] =	wrdreg $0xFFFFFFFF  }
0xad: {  	[dreg:$0x0] =	wrdreg $0x60  }
0xae: {  	[dreg:$0x2] =	wrdreg s24  }
0xaf: {  	[dreg:$0x3] =	wrdreg $0x6A000  }
0xb0: {  	[dreg:$0x4] =	wrdreg $0x9  }
0xb1: {  	_ =	task.clear_ibuf [dreg:s6], $0x5FFFF;
	_ =	strace $0x90000046  }
0xb2: {  	s29 =	simm.s32 $0x9;
	_ =	strace $0x80000048  }
0xb3: {  	_ =	swait.ge [sflag:s29], $0x1  }
0xb4: {  	[sflag:s29] =	ssyncadd.s32 $0xFFFFFFFF  }
0xb5: {  	_ =	strace $0x90000048  }
0xb6: {  	_ =	sfence  }
0xb7: {  	s30 =	sld [smem:$0x0];
	_ =	sdelay $0x2  }
0xb8: {  	s31 =	sshll.u32 s1, $0xD;
	s1 =	sshrl.u32 s1, $0x2  }
0xb9: {  	s3 =	sand.u32 $0x4000, s31;
	s1 =	sadd.s32 s1, s30  }
0xba: {  	s0 =	sor.u32 s3, s0;
	s1 =	sshll.u32 s1, $0x11  }
0xbb: {  	s0 =	sor.u32 s1, s0  }
0xbc: {  	s0 =	sadd.s32 $0x8F2B, s0  }
0xbd: {  	[sflag:s0] =	ssyncadd.remote.s32 $0x1  }
0xbe: {  	_ =	sfence.sel $0xFFFF  }
0xbf: {  	[dreg:$0x0] =	wrdreg $0xFFFFFFFF;
	(pc) =	sbr.abs _section_cstart, $3  }
0xc0: {  	[dreg:$0x1] =	wrdreg $0xFFFFFFFF  }
0xc1: {  	_ =	task.clear_ibuf [dreg:s6], $0x2FFFF;
	_ =	strace $0x9FFFFFFF  }
0xc2: {  	(tm) =	ssettm $0x7FFFFFFF  }
0xc3: {  	_ =	shalt  }
tec
execute0_lowered:
.L_overlay_start_1:
0x0: {  	(tag) =	ssettag $0x1  }
0x1: {  	s0 =	rddreg [dreg:$0x0]  }
0x2: {  	s2 =	rddreg [dreg:$0x1];
	s3 =	simm.s32 $0x0  }
0x3: {  	s12 =	stileid.u32;
	s5 =	srdreg.scid;
	s22 =	simm.s32 $0x7  }
0x4: {  	s28 =	simm.s32 $0x4800;
	s29 =	simm.s32 $0x6900;
	s1 =	smul.u32 $0x5000, s12  }
0x5: {  	s30 =	simm.s32 $0x1;
	s31 =	simm.s32 $0x3;
	s4 =	smul.u32 $0xA000, s12  }
0x6: {  	[smem:$0x7FF] =	sst s3;
	s5 =	sand.u32 $0x1, s5;
	s11 =	smul.u32 $0x28000, s12  }
0x7: {  	s8 =	sadd.s32 $0x3E200, s0;
	s24 =	sshll.u32 s12, $0x6;
	s12 =	smul.u32 $0x1400, s12  }
0x8: {  	s26 =	sadd.s32 $0x3E220, s0;
	_ =	strace $0x80000047;
	s7 =	smul.u32 $0x14000, s5  }
0x9: {  	s5 =	ssub.s32 $0x2, s5;
	s1 =	sshrl.u32 s1, $0x3;
	s6 =	sshrl.u32 s4, $0x3  }
0xa: {  	s10 =	sshrl.u32 s5, $0x1;
	s4 =	sadd.s32 s4, s2;
	s11 =	sshrl.u32 s11, $0x2  }
0xb: {  	s14 =	sadd.s32 $0xA00, s12;
	s13 =	sadd.s32 s12, s26;
	s1 =	sadd.s32 s1, s0  }
0xc: {  	s9 =	sadd.s32 s6, s0;
	s7 =	sadd.s32 s7, s0;
	s10 =	ssub.s32 s5, s10  }
0xd: {  	s11 =	sadd.s32 s11, s2;
	s0 =	sadd.s32 $0x3E240, s0;
	s15 =	sadd.s32 s8, s14  }
0xe: {  	s26 =	sadd.s32 s14, s26;
	s17 =	sadd.s32 $0x9C0, s13;
	s18 =	sadd.s32 $0x13C0, s13  }
0xf: {  	s21 =	sshrl.u32 s4, $0x3;
	s4 =	simm.s32 $0x2;
	[dreg:$0x8] =	wrdreg s15  }
0x10: {  	s23 =	sadd.s32 s6, s7;
	s11 =	sadd.s32 $0xA0000, s11;
	[dreg:$0xb] =	wrdreg s26  }
0x11: {  	s9 =	sadd.s32 $0x52200, s9;
	s25 =	sadd.s32 $0x34200, s1;
	[dreg:$0x4] =	wrdreg s11  }
0x12: {  	s1 =	sadd.s32 $0x34700, s1;
	s16 =	sadd.s32 $0x66200, s7;
	[dreg:$0x5] =	wrdreg s9  }
0x13: {  	s26 =	simm.s32 $0x6800;
	s7 =	simm.s32 $0x6;
	[dreg:$0x6] =	wrdreg s25  }
0x14: {  	s5 =	sadd.s32 $0x2200, s23;
	s9 =	sadd.s32 s8, s12;
	[dreg:$0x7] =	wrdreg s1  }
0x15: {  	s25 =	sadd.s32 s12, s0;
	s0 =	sadd.s32 s14, s0;
	s23 =	simm.s32 $0x80  }
0x16: {  	s1 =	simm.s32 $0x100;
	s8 =	simm.s32 $0x2780;
	[dreg:$0x3] =	wrdreg s5  }
0x17: {  	s5 =	sor.u32 $0x1C07, s24;
	s24 =	smax.u32 s10, $0x1;
	[dreg:$0xa] =	wrdreg s25  }
0x18: {  	[dreg:$0xc] =	wrdreg s0;
	s19 =	sadd.s32 $0x80, s9;
	s20 =	sadd.s32 $0xA80, s9  }
0x19: {  	s25 =	simm.s32 $0x2800;
	s0 =	simm.s32 $0x5;
	s10 =	simm.s32 $0x0  }
0x1a: {  	[dreg:$0x9] =	wrdreg s24;
	s24 =	sadd.s32 s6, s16;
	s6 =	simm.s32 $0x4  }
.LBB2_1:
0x1b: {  	s11 =	rddreg [dreg:$0x3]  }
0x1c: {  	[spmem:s21], [sflag:s5] =	dma.local [hbm:s11], $0x1400  }
0x1d: {  	_ =	swait.ge [sflag:s22], $0x1400  }
0x1e: {  	[sflag:s22] =	ssyncset.done $0x0;
	s14 =	rddreg [dreg:$0x4]  }
0x1f: {  	s12 =	rddreg [dreg:$0x5];
	[sflag:s22] =	ssyncadd.s32 $0xFFFFEC00;
	s11 =	sshrl.u32 s14, $0x3  }
0x20: {  	[spmem:s11], [sflag:s5] =	dma.local [hbm:s12], $0x1400  }
0x21: {  	_ =	swait.ge [sflag:s22], $0x1400  }
0x22: {  	[sflag:s22] =	ssyncset.done $0x0  }
0x23: {  	[sflag:s22] =	ssyncadd.s32 $0xFFFFEC00  }
0x24: {  	[bflag:$0x0] =	sbarrier.arrive $0xFFFF  }
0x25: {  	s15 =	rddreg [dreg:$0x6]  }
0x26: {  	[tilespmem:s3], [sflag:$0x7] =	stream.linear.gather [hbm4b:s15+s3], $0x2800, $0x38;
	[tilespmem:$0x1AA00] =	vst v63  }
0x27: {  	_ =	swait.ge [sflag:s22], $0x2800  }
0x28: {  	[sflag:s22] =	ssyncset.done $0x0  }
0x29: {  	[sflag:s22] =	ssyncadd.s32 $0xFFFFD800  }
0x2a: {  	[tilespmem:s25], [sflag:$0x1] =	stream.indirect.gather [spmem:s2], $0x40, s3, s23, $0xb8;
	[tilespmem:$0x1AA00] =	vst v63  }
0x2b: {  	_ = 	snop  }
0x2c: {  	[tilespmem:s26], [sflag:$0x3] =	stream.linear.gather [hbm4b:s9+s3], $0x100, $0x38;
	[tilespmem:$0x1AA00] =	vst v63  }
0x2d: {  	_ = 	snop  }
0x2e: {  	[tilespmem:s28], [sflag:$0x2] =	stream.indirect.gather [spmem:s2], $0x40, s23, s23, $0xb8;
	[tilespmem:$0x1AA00] =	vst v63  }
0x2f: {  	_ = 	snop  }
0x30: {  	[tilespmem:s29], [sflag:$0x4] =	stream.linear.gather [hbm4b:s13+s3], $0x100, $0x38;
	[tilespmem:$0x1AA00] =	vst v63  }
0x31: {  	_ =	swait.ge [sflag:s30], $0x2000  }
0x32: {  	[sflag:s30] =	ssyncset.done $0x0  }
0x33: {  	[sflag:s30] =	ssyncadd.s32 $0xFFFFE000  }
0x34: {  	_ =	swait.ge [sflag:s31], $0x100  }
0x35: {  	[sflag:s31] =	ssyncset.done $0x0  }
0x36: {  	[sflag:s31] =	ssyncadd.s32 $0xFFFFFF00  }
0x37: {  	[spmem:s2] =	stream.indirect.scatter.add.f32 [tilespmem:s25], [sflag:$0x5], $0x40, s26, s23, $0xb8;
	[tilespmem:$0x1AA00] =	vst v63  }
0x38: {  	_ =	swait.ge [sflag:s0], $0x2000  }
0x39: {  	[sflag:s0] =	ssyncset.done $0x0  }
0x3a: {  	[sflag:s0] =	ssyncadd.s32 $0xFFFFE000  }
0x3b: {  	[tilespmem:s25], [sflag:$0x1] =	stream.indirect.gather [spmem:s2], $0x40, s1, s23, $0xb8;
	[tilespmem:$0x1AA00] =	vst v63  }
0x3c: {  	s16 =	rddreg [dreg:$0xa]  }
0x3d: {  	[tilespmem:s26], [sflag:$0x3] =	stream.linear.gather [hbm4b:s16+s3], $0x100, $0x38;
	[tilespmem:$0x1AA00] =	vst v63  }
0x3e: {  	_ =	swait.ge [sflag:s4], $0x2000  }
0x3f: {  	[sflag:s4] =	ssyncset.done $0x0  }
0x40: {  	[sflag:s4] =	ssyncadd.s32 $0xFFFFE000  }
0x41: {  	_ =	swait.ge [sflag:s6], $0x100  }
0x42: {  	[sflag:s6] =	ssyncset.done $0x0  }
0x43: {  	[sflag:s6] =	ssyncadd.s32 $0xFFFFFF00  }
0x44: {  	[spmem:s2] =	stream.indirect.scatter.add.f32 [tilespmem:s28], [sflag:$0x6], $0x40, s29, s23, $0xb8;
	[tilespmem:$0x1AA00] =	vst v63  }
0x45: {  	_ =	swait.ge [sflag:s7], $0x2000  }
0x46: {  	[sflag:s7] =	ssyncset.done $0x0  }
0x47: {  	s14 =	simm.s32 $0x180;
	[sflag:s7] =	ssyncadd.s32 $0xFFFFE000  }
0x48: {  	[tilespmem:s28], [sflag:$0x2] =	stream.indirect.gather [spmem:s2], $0x40, s14, s23, $0xb8;
	[tilespmem:$0x1AA00] =	vst v63  }
0x49: {  	s15 =	sadd.s32 $0xFFFFFFE0, s19  }
0x4a: {  	[tilespmem:s29], [sflag:$0x4] =	stream.linear.gather [hbm4b:s15+s3], $0x100, $0x38;
	[tilespmem:$0x1AA00] =	vst v63  }
0x4b: {  	_ =	swait.ge [sflag:s30], $0x2000  }
0x4c: {  	[sflag:s30] =	ssyncset.done $0x0  }
0x4d: {  	[sflag:s30] =	ssyncadd.s32 $0xFFFFE000  }
0x4e: {  	_ =	swait.ge [sflag:s31], $0x100  }
0x4f: {  	[sflag:s31] =	ssyncset.done $0x0  }
0x50: {  	[sflag:s31] =	ssyncadd.s32 $0xFFFFFF00  }
0x51: {  	[spmem:s2] =	stream.indirect.scatter.add.f32 [tilespmem:s25], [sflag:$0x5], $0x40, s26, s23, $0xb8;
	[tilespmem:$0x1AA00] =	vst v63  }
0x52: {  	_ =	swait.ge [sflag:s0], $0x2000  }
0x53: {  	[sflag:s0] =	ssyncset.done $0x0  }
0x54: {  	s16 =	simm.s32 $0x200;
	[sflag:s0] =	ssyncadd.s32 $0xFFFFE000  }
0x55: {  	[tilespmem:s25], [sflag:$0x1] =	stream.indirect.gather [spmem:s2], $0x40, s16, s23, $0xb8;
	[tilespmem:$0x1AA00] =	vst v63  }
0x56: {  	_ = 	snop  }
0x57: {  	[tilespmem:s26], [sflag:$0x3] =	stream.linear.gather [hbm4b:s19+s3], $0x100, $0x38;
	[tilespmem:$0x1AA00] =	vst v63  }
0x58: {  	_ =	swait.ge [sflag:s4], $0x2000  }
0x59: {  	[sflag:s4] =	ssyncset.done $0x0  }
0x5a: {  	[sflag:s4] =	ssyncadd.s32 $0xFFFFE000  }
0x5b: {  	_ =	swait.ge [sflag:s6], $0x100  }
0x5c: {  	[sflag:s6] =	ssyncset.done $0x0  }
0x5d: {  	s12 =	simm.s32 $0xFFFF6C00;
	s14 =	sadd.s32 $0x40, s19;
	[sflag:s6] =	ssyncadd.s32 $0xFFFFFF00  }
.LBB2_2:
0x5e: {  	[spmem:s2] =	stream.indirect.scatter.add.f32 [tilespmem:s28], [sflag:$0x6], $0x40, s29, s23, $0xb8;
	[tilespmem:$0x1AA00] =	vst v63  }
0x5f: {  	s15 =	smov.u32 s12  }
0x60: {  	p0 =	sne.s32 s12, $0xFFFFFC00;
	s12 =	sadd.s32 $0x400, s12;
	_ =	swait.ge [sflag:s7], $0x2000  }
0x61: {  	s15 =	sshra.s32 s15, $0x2;
	[sflag:s7] =	ssyncset.done $0x0  }
0x62: {  	s16 =	sadd.s32 $0x2780, s15;
	[sflag:s7] =	ssyncadd.s32 $0xFFFFE000  }
0x63: {  	[tilespmem:s28], [sflag:$0x2] =	stream.indirect.gather [spmem:s2], $0x40, s16, s23, $0xb8;
	[tilespmem:$0x1AA00] =	vst v63  }
0x64: {  	s16 =	sadd.s32 $0xFFFFFFE0, s14  }
0x65: {  	[tilespmem:s29], [sflag:$0x4] =	stream.linear.gather [hbm4b:s16+s3], $0x100, $0x38;
	[tilespmem:$0x1AA00] =	vst v63  }
0x66: {  	_ =	swait.ge [sflag:s30], $0x2000  }
0x67: {  	[sflag:s30] =	ssyncset.done $0x0  }
0x68: {  	[sflag:s30] =	ssyncadd.s32 $0xFFFFE000  }
0x69: {  	_ =	swait.ge [sflag:s31], $0x100  }
0x6a: {  	[sflag:s31] =	ssyncset.done $0x0  }
0x6b: {  	[sflag:s31] =	ssyncadd.s32 $0xFFFFFF00  }
0x6c: {  	[spmem:s2] =	stream.indirect.scatter.add.f32 [tilespmem:s25], [sflag:$0x5], $0x40, s26, s23, $0xb8;
	[tilespmem:$0x1AA00] =	vst v63  }
0x6d: {  	_ =	swait.ge [sflag:s0], $0x2000  }
0x6e: {  	[sflag:s0] =	ssyncset.done $0x0  }
0x6f: {  	s15 =	sadd.s32 $0x2800, s15;
	[sflag:s0] =	ssyncadd.s32 $0xFFFFE000  }
0x70: {  	[tilespmem:s25], [sflag:$0x1] =	stream.indirect.gather [spmem:s2], $0x40, s15, s23, $0xb8;
	[tilespmem:$0x1AA00] =	vst v63  }
0x71: {  	_ = 	snop  }
0x72: {  	[tilespmem:s26], [sflag:$0x3] =	stream.linear.gather [hbm4b:s14+s3], $0x100, $0x38;
	[tilespmem:$0x1AA00] =	vst v63  }
0x73: {  	_ =	swait.ge [sflag:s4], $0x2000  }
.Ltmp0:
0x74: {  	[sflag:s4] =	ssyncset.done $0x0;
	(pc) =	sbr.rel @p0 .LBB2_2-.Ltmp0, $4  }
0x75: {  	[sflag:s4] =	ssyncadd.s32 $0xFFFFE000  }
0x76: {  	_ =	swait.ge [sflag:s6], $0x100  }
0x77: {  	[sflag:s6] =	ssyncset.done $0x0  }
0x78: {  	s14 =	sadd.s32 $0x40, s14;
	[sflag:s6] =	ssyncadd.s32 $0xFFFFFF00  }
0x79: {  	[spmem:s2] =	stream.indirect.scatter.add.f32 [tilespmem:s28], [sflag:$0x6], $0x40, s29, s23, $0xb8;
	[tilespmem:$0x1AA00] =	vst v63  }
0x7a: {  	_ =	swait.ge [sflag:s7], $0x2000  }
0x7b: {  	[sflag:s7] =	ssyncset.done $0x0  }
0x7c: {  	[sflag:s7] =	ssyncadd.s32 $0xFFFFE000  }
0x7d: {  	[tilespmem:s28], [sflag:$0x2] =	stream.indirect.gather [spmem:s2], $0x40, s8, s23, $0xb8;
	[tilespmem:$0x1AA00] =	vst v63  }
0x7e: {  	_ = 	snop  }
0x7f: {  	[tilespmem:s29], [sflag:$0x4] =	stream.linear.gather [hbm4b:s17+s3], $0x100, $0x38;
	[tilespmem:$0x1AA00] =	vst v63  }
0x80: {  	_ =	swait.ge [sflag:s30], $0x2000  }
0x81: {  	[sflag:s30] =	ssyncset.done $0x0  }
0x82: {  	[sflag:s30] =	ssyncadd.s32 $0xFFFFE000  }
0x83: {  	_ =	swait.ge [sflag:s31], $0x100  }
0x84: {  	[sflag:s31] =	ssyncset.done $0x0  }
0x85: {  	[sflag:s31] =	ssyncadd.s32 $0xFFFFFF00  }
0x86: {  	[spmem:s2] =	stream.indirect.scatter.add.f32 [tilespmem:s25], [sflag:$0x5], $0x40, s26, s23, $0xb8;
	[tilespmem:$0x1AA00] =	vst v63  }
0x87: {  	_ =	swait.ge [sflag:s4], $0x2000  }
0x88: {  	[sflag:s4] =	ssyncset.done $0x0  }
0x89: {  	[sflag:s4] =	ssyncadd.s32 $0xFFFFE000  }
0x8a: {  	_ =	swait.ge [sflag:s6], $0x100  }
0x8b: {  	[sflag:s6] =	ssyncset.done $0x0  }
0x8c: {  	[sflag:s6] =	ssyncadd.s32 $0xFFFFFF00  }
0x8d: {  	[spmem:s2] =	stream.indirect.scatter.add.f32 [tilespmem:s28], [sflag:$0x6], $0x40, s29, s23, $0xb8;
	[tilespmem:$0x1AA00] =	vst v63  }
0x8e: {  	_ =	swait.ge [sflag:s0], $0x2000  }
0x8f: {  	[sflag:s0] =	ssyncset.done $0x0  }
0x90: {  	[sflag:s0] =	ssyncadd.s32 $0xFFFFE000  }
0x91: {  	_ =	swait.ge [sflag:s7], $0x2000  }
0x92: {  	[sflag:s7] =	ssyncset.done $0x0  }
0x93: {  	s12 =	rddreg [dreg:$0x7];
	[sflag:s7] =	ssyncadd.s32 $0xFFFFE000  }
0x94: {  	[tilespmem:s3], [sflag:$0x7] =	stream.linear.gather [hbm4b:s12+s3], $0x2800, $0x38;
	[tilespmem:$0x1AA00] =	vst v63  }
0x95: {  	_ =	swait.ge [sflag:s22], $0x2800  }
0x96: {  	[sflag:s22] =	ssyncset.done $0x0  }
0x97: {  	[sflag:s22] =	ssyncadd.s32 $0xFFFFD800  }
0x98: {  	[tilespmem:s25], [sflag:$0x1] =	stream.indirect.gather [spmem:s2], $0x40, s3, s23, $0xb8;
	[tilespmem:$0x1AA00] =	vst v63  }
0x99: {  	s14 =	rddreg [dreg:$0x8]  }
0x9a: {  	[tilespmem:s26], [sflag:$0x3] =	stream.linear.gather [hbm4b:s14+s3], $0x100, $0x38;
	[tilespmem:$0x1AA00] =	vst v63  }
0x9b: {  	_ = 	snop  }
0x9c: {  	[tilespmem:s28], [sflag:$0x2] =	stream.indirect.gather [spmem:s2], $0x40, s23, s23, $0xb8;
	[tilespmem:$0x1AA00] =	vst v63  }
0x9d: {  	s15 =	rddreg [dreg:$0xb]  }
0x9e: {  	[tilespmem:s29], [sflag:$0x4] =	stream.linear.gather [hbm4b:s15+s3], $0x100, $0x38;
	[tilespmem:$0x1AA00] =	vst v63  }
0x9f: {  	_ =	swait.ge [sflag:s30], $0x2000  }
0xa0: {  	[sflag:s30] =	ssyncset.done $0x0  }
0xa1: {  	[sflag:s30] =	ssyncadd.s32 $0xFFFFE000  }
0xa2: {  	_ =	swait.ge [sflag:s31], $0x100  }
0xa3: {  	[sflag:s31] =	ssyncset.done $0x0  }
0xa4: {  	[sflag:s31] =	ssyncadd.s32 $0xFFFFFF00  }
0xa5: {  	[spmem:s2] =	stream.indirect.scatter.add.f32 [tilespmem:s25], [sflag:$0x5], $0x40, s26, s23, $0xb8;
	[tilespmem:$0x1AA00] =	vst v63  }
0xa6: {  	_ =	swait.ge [sflag:s0], $0x2000  }
0xa7: {  	[sflag:s0] =	ssyncset.done $0x0  }
0xa8: {  	[sflag:s0] =	ssyncadd.s32 $0xFFFFE000  }
0xa9: {  	[tilespmem:s25], [sflag:$0x1] =	stream.indirect.gather [spmem:s2], $0x40, s1, s23, $0xb8;
	[tilespmem:$0x1AA00] =	vst v63  }
0xaa: {  	s16 =	rddreg [dreg:$0xc]  }
0xab: {  	[tilespmem:s26], [sflag:$0x3] =	stream.linear.gather [hbm4b:s16+s3], $0x100, $0x38;
	[tilespmem:$0x1AA00] =	vst v63  }
0xac: {  	_ =	swait.ge [sflag:s4], $0x2000  }
0xad: {  	[sflag:s4] =	ssyncset.done $0x0  }
0xae: {  	[sflag:s4] =	ssyncadd.s32 $0xFFFFE000  }
0xaf: {  	_ =	swait.ge [sflag:s6], $0x100  }
0xb0: {  	[sflag:s6] =	ssyncset.done $0x0  }
0xb1: {  	[sflag:s6] =	ssyncadd.s32 $0xFFFFFF00  }
0xb2: {  	[spmem:s2] =	stream.indirect.scatter.add.f32 [tilespmem:s28], [sflag:$0x6], $0x40, s29, s23, $0xb8;
	[tilespmem:$0x1AA00] =	vst v63  }
0xb3: {  	_ =	swait.ge [sflag:s7], $0x2000  }
0xb4: {  	[sflag:s7] =	ssyncset.done $0x0  }
0xb5: {  	s14 =	simm.s32 $0x180;
	[sflag:s7] =	ssyncadd.s32 $0xFFFFE000  }
0xb6: {  	[tilespmem:s28], [sflag:$0x2] =	stream.indirect.gather [spmem:s2], $0x40, s14, s23, $0xb8;
	[tilespmem:$0x1AA00] =	vst v63  }
0xb7: {  	s15 =	sadd.s32 $0xFFFFFFE0, s20  }
0xb8: {  	[tilespmem:s29], [sflag:$0x4] =	stream.linear.gather [hbm4b:s15+s3], $0x100, $0x38;
	[tilespmem:$0x1AA00] =	vst v63  }
0xb9: {  	_ =	swait.ge [sflag:s30], $0x2000  }
0xba: {  	[sflag:s30] =	ssyncset.done $0x0  }
0xbb: {  	[sflag:s30] =	ssyncadd.s32 $0xFFFFE000  }
0xbc: {  	_ =	swait.ge [sflag:s31], $0x100  }
0xbd: {  	[sflag:s31] =	ssyncset.done $0x0  }
0xbe: {  	[sflag:s31] =	ssyncadd.s32 $0xFFFFFF00  }
0xbf: {  	[spmem:s2] =	stream.indirect.scatter.add.f32 [tilespmem:s25], [sflag:$0x5], $0x40, s26, s23, $0xb8;
	[tilespmem:$0x1AA00] =	vst v63  }
0xc0: {  	_ =	swait.ge [sflag:s0], $0x2000  }
0xc1: {  	[sflag:s0] =	ssyncset.done $0x0  }
0xc2: {  	s16 =	simm.s32 $0x200;
	[sflag:s0] =	ssyncadd.s32 $0xFFFFE000  }
0xc3: {  	[tilespmem:s25], [sflag:$0x1] =	stream.indirect.gather [spmem:s2], $0x40, s16, s23, $0xb8;
	[tilespmem:$0x1AA00] =	vst v63  }
0xc4: {  	_ = 	snop  }
0xc5: {  	[tilespmem:s26], [sflag:$0x3] =	stream.linear.gather [hbm4b:s20+s3], $0x100, $0x38;
	[tilespmem:$0x1AA00] =	vst v63  }
0xc6: {  	_ =	swait.ge [sflag:s4], $0x2000  }
0xc7: {  	[sflag:s4] =	ssyncset.done $0x0  }
0xc8: {  	[sflag:s4] =	ssyncadd.s32 $0xFFFFE000  }
0xc9: {  	_ =	swait.ge [sflag:s6], $0x100  }
0xca: {  	[sflag:s6] =	ssyncset.done $0x0  }
0xcb: {  	s12 =	simm.s32 $0xFFFF6C00;
	s14 =	sadd.s32 $0x40, s20;
	[sflag:s6] =	ssyncadd.s32 $0xFFFFFF00  }
.LBB2_4:
0xcc: {  	[spmem:s2] =	stream.indirect.scatter.add.f32 [tilespmem:s28], [sflag:$0x6], $0x40, s29, s23, $0xb8;
	[tilespmem:$0x1AA00] =	vst v63  }
0xcd: {  	s15 =	smov.u32 s12  }
0xce: {  	p0 =	sne.s32 s12, $0xFFFFFC00;
	s12 =	sadd.s32 $0x400, s12;
	_ =	swait.ge [sflag:s7], $0x2000  }
0xcf: {  	s15 =	sshra.s32 s15, $0x2;
	[sflag:s7] =	ssyncset.done $0x0  }
0xd0: {  	s16 =	sadd.s32 $0x2780, s15;
	[sflag:s7] =	ssyncadd.s32 $0xFFFFE000  }
0xd1: {  	[tilespmem:s28], [sflag:$0x2] =	stream.indirect.gather [spmem:s2], $0x40, s16, s23, $0xb8;
	[tilespmem:$0x1AA00] =	vst v63  }
0xd2: {  	s16 =	sadd.s32 $0xFFFFFFE0, s14  }
0xd3: {  	[tilespmem:s29], [sflag:$0x4] =	stream.linear.gather [hbm4b:s16+s3], $0x100, $0x38;
	[tilespmem:$0x1AA00] =	vst v63  }
0xd4: {  	_ =	swait.ge [sflag:s30], $0x2000  }
0xd5: {  	[sflag:s30] =	ssyncset.done $0x0  }
0xd6: {  	[sflag:s30] =	ssyncadd.s32 $0xFFFFE000  }
0xd7: {  	_ =	swait.ge [sflag:s31], $0x100  }
0xd8: {  	[sflag:s31] =	ssyncset.done $0x0  }
0xd9: {  	[sflag:s31] =	ssyncadd.s32 $0xFFFFFF00  }
0xda: {  	[spmem:s2] =	stream.indirect.scatter.add.f32 [tilespmem:s25], [sflag:$0x5], $0x40, s26, s23, $0xb8;
	[tilespmem:$0x1AA00] =	vst v63  }
0xdb: {  	_ =	swait.ge [sflag:s0], $0x2000  }
0xdc: {  	[sflag:s0] =	ssyncset.done $0x0  }
0xdd: {  	s15 =	sadd.s32 $0x2800, s15;
	[sflag:s0] =	ssyncadd.s32 $0xFFFFE000  }
0xde: {  	[tilespmem:s25], [sflag:$0x1] =	stream.indirect.gather [spmem:s2], $0x40, s15, s23, $0xb8;
	[tilespmem:$0x1AA00] =	vst v63  }
0xdf: {  	_ = 	snop  }
0xe0: {  	[tilespmem:s26], [sflag:$0x3] =	stream.linear.gather [hbm4b:s14+s3], $0x100, $0x38;
	[tilespmem:$0x1AA00] =	vst v63  }
0xe1: {  	_ =	swait.ge [sflag:s4], $0x2000  }
.Ltmp1:
0xe2: {  	[sflag:s4] =	ssyncset.done $0x0;
	(pc) =	sbr.rel @p0 .LBB2_4-.Ltmp1, $4  }
0xe3: {  	[sflag:s4] =	ssyncadd.s32 $0xFFFFE000  }
0xe4: {  	_ =	swait.ge [sflag:s6], $0x100  }
0xe5: {  	[sflag:s6] =	ssyncset.done $0x0  }
0xe6: {  	s14 =	sadd.s32 $0x40, s14;
	[sflag:s6] =	ssyncadd.s32 $0xFFFFFF00  }
0xe7: {  	[spmem:s2] =	stream.indirect.scatter.add.f32 [tilespmem:s28], [sflag:$0x6], $0x40, s29, s23, $0xb8;
	[tilespmem:$0x1AA00] =	vst v63  }
0xe8: {  	_ =	swait.ge [sflag:s7], $0x2000  }
0xe9: {  	[sflag:s7] =	ssyncset.done $0x0  }
0xea: {  	[sflag:s7] =	ssyncadd.s32 $0xFFFFE000  }
0xeb: {  	[tilespmem:s28], [sflag:$0x2] =	stream.indirect.gather [spmem:s2], $0x40, s8, s23, $0xb8;
	[tilespmem:$0x1AA00] =	vst v63  }
0xec: {  	_ = 	snop  }
0xed: {  	[tilespmem:s29], [sflag:$0x4] =	stream.linear.gather [hbm4b:s18+s3], $0x100, $0x38;
	[tilespmem:$0x1AA00] =	vst v63  }
0xee: {  	_ =	swait.ge [sflag:s30], $0x2000  }
0xef: {  	[sflag:s30] =	ssyncset.done $0x0  }
0xf0: {  	[sflag:s30] =	ssyncadd.s32 $0xFFFFE000  }
0xf1: {  	_ =	swait.ge [sflag:s31], $0x100  }
0xf2: {  	[sflag:s31] =	ssyncset.done $0x0  }
0xf3: {  	[sflag:s31] =	ssyncadd.s32 $0xFFFFFF00  }
0xf4: {  	[spmem:s2] =	stream.indirect.scatter.add.f32 [tilespmem:s25], [sflag:$0x5], $0x40, s26, s23, $0xb8;
	[tilespmem:$0x1AA00] =	vst v63  }
0xf5: {  	_ =	swait.ge [sflag:s4], $0x2000  }
0xf6: {  	[sflag:s4] =	ssyncset.done $0x0  }
0xf7: {  	[sflag:s4] =	ssyncadd.s32 $0xFFFFE000  }
0xf8: {  	_ =	swait.ge [sflag:s6], $0x100  }
0xf9: {  	[sflag:s6] =	ssyncset.done $0x0  }
0xfa: {  	[sflag:s6] =	ssyncadd.s32 $0xFFFFFF00  }
0xfb: {  	[spmem:s2] =	stream.indirect.scatter.add.f32 [tilespmem:s28], [sflag:$0x6], $0x40, s29, s23, $0xb8;
	[tilespmem:$0x1AA00] =	vst v63  }
0xfc: {  	_ =	swait.ge [sflag:s0], $0x2000  }
0xfd: {  	[sflag:s0] =	ssyncset.done $0x0  }
0xfe: {  	[sflag:s0] =	ssyncadd.s32 $0xFFFFE000  }
0xff: {  	_ =	swait.ge [sflag:s7], $0x2000  }
0x100: {  	[sflag:s7] =	ssyncset.done $0x0  }
0x101: {  	[sflag:s7] =	ssyncadd.s32 $0xFFFFE000  }
0x102: {  	[bflag:$0x0] =	sbarrier.arrive $0xFFFF  }
0x103: {  	[hbm:s24], [sflag:s5] =	dma.local [spmem:s11], $0x1400  }
0x104: {  	_ =	swait.ge [sflag:s22], $0x1400  }
0x105: {  	s10 =	sadd.s32 $0x1, s10;
	s16 =	rddreg [dreg:$0x9]  }
0x106: {  	p0 =	sne.s32 s10, s16  }
.Ltmp2:
0x107: {  	_ = 	snop;
	(pc) =	sbr.rel @p0 .LBB2_1-.Ltmp2, $3  }
0x108: {  	_ =	sdelay $0x1  }
0x109: {  	[sflag:s22] =	ssyncset.done $0x0  }
0x10a: {  	[sflag:s22] =	ssyncadd.s32 $0xFFFFEC00  }
0x10b: {  	_ =	sfence.sel $0x180000  }
0x10c: {  	[bflag:$0x0] =	sbarrier.arrive $0xFFFF  }
0x10d: {  	_ =	strace $0x90000047  }
0x10e: {  	s0 =	stileid.u32;
	[bflag:$0x2] =	sbarrier.arrive $0xFFFF  }
0x10f: {  	p0 =	sne.s32 s0, $0x0;
	s0 =	rddreg [dreg:$0x2]  }
0x110: {  	s0 =	sadd.s32 @!p0 $0x100000, s0  }
0x111: {  	[sflag:s0] =	ssyncadd.tile.s32 @!p0 $0x1;
	_ =	shalt  }
.Lfunc_end2:
_tile_overlayer_lowered:
.L_overlay_start_2:
0x112: {  	(tag) =	ssettag $0x2  }
0x113: {  	s0 =	rddreg [dreg:$0x0];
	s2 =	stileid.u32  }
0x114: {  	s1 =	rddreg [dreg:$0x1];
	p0 =	sne.s32 s2, $0x0  }
0x115: {  	s3 =	rddreg [dreg:$0x2];
	[bflag:$0x3] =	sbarrier.arrive $0xFFFF;
	s2 =	simm.s32 @!p0 $0x1C07  }
0x116: {  	[timem:s3], [sflag:s2] =	dma.local @!p0 [hbm:s0], s1  }
0x117: {  	s0 =	simm.s32 @!p0 $0x7  }
0x118: {  	_ =	swait.ge @!p0 [sflag:s0], s1  }
0x119: {  	s1 =	ssub.s32 @!p0 $0x0, s1;
	[sflag:s0] =	ssyncset.done @!p0 $0x0  }
0x11a: {  	[sflag:s0] =	ssyncadd.s32 @!p0 s1  }
0x11b: {  	[bflag:$0x3] =	sbarrier.arrive $0xFFFF  }
0x11c: {  	_ =	shalt  }

// kernel: kernel.9.cloned.1.call-start
scs
__scs_entry_jumppad:
0x0: {  	(pc) =	sbr.rel $0x88, $3  }
0x1: {  	(tag) =	ssettag $0x0;
	lr =	simm.s32 $0x1  }
0x2: {  	[smem:$0x3F95] =	sst lr;
	_ =	strace $0xD0000000  }
0x3: {  	_ = 	snop  }
0x4: {  	_ = 	snop  }
0x5: {  	_ = 	snop  }
0x6: {  	_ = 	snop  }
0x7: {  	_ = 	snop  }
__scs_overlays_trampoline_lowered:
0x8: {  	[smem:$0x3FA4] =	sst s0  }
0x9: {  	[smem:$0x3FA5] =	sst s1  }
0xa: {  	[smem:$0x3FA6] =	sst s2  }
0xb: {  	[smem:$0x3FA7] =	sst s3  }
0xc: {  	[smem:$0x3FA8] =	sst s4  }
0xd: {  	[smem:$0x3FA9] =	sst s5  }
0xe: {  	[smem:$0x3FAA] =	sst s6  }
0xf: {  	[smem:$0x3FAB] =	sst s7  }
0x10: {  	[smem:$0x3FAC] =	sst s8  }
0x11: {  	[smem:$0x3FAD] =	sst s9;
	s0 =	simm.s32 @!p0 $0x0  }
0x12: {  	s1 =	sld [smem:$0x3F93];
	s0 =	simm.s32 @p0 $0x1  }
0x13: {  	[smem:$0x3FAE] =	sst s0;
	s0 =	simm.s32 @!p1 $0x0  }
0x14: {  	s2 =	sld [smem:$0x3F92];
	s0 =	simm.s32 @p1 $0x1  }
0x15: {  	[smem:$0x3FAF] =	sst s0;
	s0 =	simm.s32 @!p2 $0x0  }
0x16: {  	s3 =	sld [smem:$0x3FDB];
	s0 =	simm.s32 @p2 $0x1  }
0x17: {  	s4 =	simm.s32 $0x1BF5;
	[smem:$0x3FB1] =	sst s0  }
0x18: {  	s0 =	sld [smem:$0x3F94];
	_ =	swait.ge [sflag:s4], $0x0  }
0x19: {  	s7 =	sld [smem:$0x3F95]  }
0x1a: {  	s8 =	sadd.s32 $0xFFFFE003, lr  }
0x1b: {  	s9 =	sadd.s32 $0xFFFFFEF7, lr;
	s5 =	simm.s32 $0xFFFFFFFF;
	p2 =	slt.u32 s8, $0xFFFFF086  }
0x1c: {  	p1 =	slt.u32 s9, $0xF7A;
	s5 =	simm.s32 @!p2 $0x0  }
0x1d: {  	s5 =	simm.s32 @p1 $0x1;
	p0 =	seq.s32 s7, s2  }
0x1e: {  	s7 =	smul.u32 @!p0 $0xF7A, s2;
	p2 =	seq.s32 @!p0 s5, $0x0  }
0x1f: {  	s9 =	smul.u32 $0xF7A, s1;
	s8 =	simm.s32 @!p0 $0x1BF5;
	p2 =	por !p2, p0  }
0x20: {  	[sflag:s8] =	ssyncset.s32 @!p0 $0xFFFFF086;
	s6 =	sadd.s32 @!p0 s3, s7;
	s7 =	simm.s32 @!p0 $0x108  }
0x21: {  	s3 =	sadd.s32 s3, s9;
	s6 =	sadd.s32 @!p0 $0x88, s6;
	s7 =	simm.s32 @p2 $0x1082  }
0x22: {  	[simem:s7], [sflag:s8] =	dma.local @!p0 [hbm:s6], $0xF7A  }
0x23: {  	s9 =	sor.u32 $0xD0000000, s2;
	s6 =	simm.s32 $0x108;
	_ =	swait.ge @!p0 [sflag:s8], $0x0  }
0x24: {  	s3 =	sadd.s32 $0x88, s3;
	s6 =	simm.s32 @!p1 $0x1082;
	[sflag:s4] =	ssyncset.s32 $0xFFFFF086  }
0x25: {  	[simem:s6], [sflag:s4] =	dma.local [hbm:s3], $0xF7A  }
0x26: {  	[smem:$0x3F95] =	sst s1;
	(tag) =	ssettag s2;
	_ =	strace s9  }
0x27: {  	s1 =	sld [smem:$0x3FA5]  }
0x28: {  	s2 =	sld [smem:$0x3FA6]  }
0x29: {  	s4 =	sld [smem:$0x3FA8]  }
0x2a: {  	p0 =	seq.s32 s5, $0x0;
	s5 =	sld [smem:$0x3FA9]  }
0x2b: {  	s6 =	sld [smem:$0x3FAA]  }
0x2c: {  	s7 =	sld [smem:$0x3FAB]  }
0x2d: {  	s3 =	simm.s32 $0x108;
	s8 =	sld [smem:$0x3FAC]  }
0x2e: {  	s3 =	simm.s32 @!p0 $0x1082;
	s9 =	sld [smem:$0x3FAD]  }
0x2f: {  	lr =	sadd.s32 s0, s3;
	s0 =	sld [smem:$0x3FA4]  }
0x30: {  	s3 =	sld [smem:$0x3FA7]  }
0x31: {  	[smem:$0x3FB0] =	sst s10  }
0x32: {  	s10 =	sld [smem:$0x3FAE];
	_ =	sdelay $0x3  }
0x33: {  	p0 =	seq.s32 s10, $0x1;
	s10 =	sld [smem:$0x3FB0];
	_ =	sdelay $0x3  }
0x34: {  	[smem:$0x3FB0] =	sst s10  }
0x35: {  	s10 =	sld [smem:$0x3FAF];
	_ =	sdelay $0x3  }
0x36: {  	p1 =	seq.s32 s10, $0x1;
	s10 =	sld [smem:$0x3FB0];
	_ =	sdelay $0x3  }
0x37: {  	[smem:$0x3FB0] =	sst s10  }
0x38: {  	s10 =	sld [smem:$0x3FB1]  }
0x39: {  	_ = 	snop;
	(pc) =	sbr.ind lr, $3  }
0x3a: {  	_ = 	snop  }
0x3b: {  	_ = 	snop  }
0x3c: {  	p2 =	seq.s32 s10, $0x1;
	s10 =	sld [smem:$0x3FB0]  }
0x3d: {  	_ =	shalt  }
0x3e: {  	_ =	shalt  }
0x3f: {  	_ =	shalt  }
0x40: {  	_ =	shalt  }
0x41: {  	_ =	shalt  }
0x42: {  	_ =	shalt  }
0x43: {  	_ =	shalt  }
0x44: {  	_ =	shalt  }
0x45: {  	_ =	shalt  }
0x46: {  	_ =	shalt  }
0x47: {  	_ =	shalt  }
0x48: {  	_ =	shalt  }
0x49: {  	_ =	shalt  }
0x4a: {  	_ =	shalt  }
0x4b: {  	_ =	shalt  }
0x4c: {  	_ =	shalt  }
0x4d: {  	_ =	shalt  }
0x4e: {  	_ =	shalt  }
0x4f: {  	_ =	shalt  }
0x50: {  	_ =	shalt  }
0x51: {  	_ =	shalt  }
0x52: {  	_ =	shalt  }
0x53: {  	_ =	shalt  }
0x54: {  	_ =	shalt  }
0x55: {  	_ =	shalt  }
0x56: {  	_ =	shalt  }
0x57: {  	_ =	shalt  }
0x58: {  	_ =	shalt  }
0x59: {  	_ =	shalt  }
0x5a: {  	_ =	shalt  }
0x5b: {  	_ =	shalt  }
0x5c: {  	_ =	shalt  }
0x5d: {  	_ =	shalt  }
0x5e: {  	_ =	shalt  }
0x5f: {  	_ =	shalt  }
0x60: {  	_ =	shalt  }
0x61: {  	_ =	shalt  }
0x62: {  	_ =	shalt  }
0x63: {  	_ =	shalt  }
0x64: {  	_ =	shalt  }
0x65: {  	_ =	shalt  }
0x66: {  	_ =	shalt  }
0x67: {  	_ =	shalt  }
0x68: {  	_ =	shalt  }
0x69: {  	_ =	shalt  }
0x6a: {  	_ =	shalt  }
0x6b: {  	_ =	shalt  }
0x6c: {  	_ =	shalt  }
0x6d: {  	_ =	shalt  }
0x6e: {  	_ =	shalt  }
0x6f: {  	_ =	shalt  }
0x70: {  	_ =	shalt  }
0x71: {  	_ =	shalt  }
0x72: {  	_ =	shalt  }
0x73: {  	_ =	shalt  }
0x74: {  	_ =	shalt  }
0x75: {  	_ =	shalt  }
0x76: {  	_ =	shalt  }
0x77: {  	_ =	shalt  }
0x78: {  	_ =	shalt  }
0x79: {  	_ =	shalt  }
0x7a: {  	_ =	shalt  }
0x7b: {  	_ =	shalt  }
0x7c: {  	_ =	shalt  }
0x7d: {  	_ =	shalt  }
0x7e: {  	_ =	shalt  }
0x7f: {  	_ =	shalt  }
0x80: {  	_ =	shalt  }
0x81: {  	_ =	shalt  }
0x82: {  	_ =	shalt  }
0x83: {  	_ =	shalt  }
0x84: {  	_ =	shalt  }
0x85: {  	_ =	shalt  }
0x86: {  	_ =	shalt  }
0x87: {  	_ =	shalt  }
.Lfunc_end0:
.L_simem_size_0:
called_computation.1_lowered:
.L_overlay_start_0:
0x88: {  	s2 =	sld [smem:$0x3FD9]  }
0x89: {  	s3 =	sld [smem:$0x3FFE];
	_ =	sdelay $0x1  }
0x8a: {  	s1 =	srdreg.scid  }
0x8b: {  	s0 =	sand.u32 $0x1, s1  }
0x8c: {  	s16 =	sshll.u32 s0, $0xA;
	s2 =	sadd.s32 s3, s2  }
0x8d: {  	s2 =	sadd.s32 s2, s16  }
0x8e: {  	[smem:$0x3FBC] =	sst s2  }
0x8f: {  	_ = 	snop  }
0x90: {  	(tm) =	ssettm $0x1  }
0x91: {  	s17 =	sld [smem:$0x3FFB];
	_ =	sdelay $0x3  }
0x92: {  	_ =	strace s17  }
0x93: {  	s2 =	sld [smem:$0x3FFC];
	_ =	sdelay $0x3  }
0x94: {  	_ =	strace s2  }
0x95: {  	s2 =	sld [smem:$0x3FFD];
	_ =	sdelay $0x3  }
0x96: {  	_ =	strace s2  }
0x97: {  	_ =	strace $0x8FFFFFFF  }
0x98: {  	s18 =	sld [smem:$0x3FDB];
	_ =	sdelay $0x1  }
0x99: {  	s19 =	simm.s32 $_scs_section_size  }
0x9a: {  	s4 =	simm.s32 $_size__tile_overlayer_lowered;
	s5 =	simm.s32 $_tile_overlayer_lowered  }
0x9b: {  	s22 =	simm.s32 $0x1BFF;
	s21 =	sshll.u32 s5, $0x1;
	s2 =	sadd.s32 s19, s18  }
0x9c: {  	s6 =	simm.s32 $0x0;
	s20 =	sshll.u32 s4, $0x1;
	s4 =	sadd.s32 s21, s2  }
0x9d: {  	[timem:s6], [sflag:s22] =	dma.local [hbm:s4], s20  }
0x9e: {  	_ =	swait.ge [sflag:s22], s20  }
0x9f: {  	s3 =	ssub.s32 $0x0, s20;
	[sflag:s22] =	ssyncset.done $0x0  }
0xa0: {  	[sflag:s22] =	ssyncadd.s32 s3;
	_ =	sdelay $0x1  }
0xa1: {  	s23 =	simm.s32 $0x1B8B  }
0xa2: {  	_ =	swait.ge [sflag:s23], $0x1  }
0xa3: {  	[sflag:s23] =	ssyncset.done $0x0  }
0xa4: {  	s25 =	simm.s32 $0x1B8E;
	s24 =	sld [smem:$0x3FFE];
	[sflag:s23] =	ssyncadd.s32 $0xFFFFFFFF  }
0xa5: {  	s26 =	simm.s32 $execute0_lowered;
	[smem:$0x3FD2] =	sst s25  }
0xa6: {  	s4 =	sshll.u32 s26, $0x1;
	_ =	strace $0x80000049;
	[dreg:$0x1] =	wrdreg $0xFFFFFFFF  }
0xa7: {  	s28 =	simm.s32 $_size_execute0_lowered;
	s2 =	sadd.s32 s2, s4;
	[dreg:$0x0] =	wrdreg $0x0  }
0xa8: {  	s4 =	sshll.u32 s28, $0x1;
	[dreg:$0x2] =	wrdreg s2  }
0xa9: {  	[dreg:$0x3] =	wrdreg s4  }
0xaa: {  	[dreg:$0x4] =	wrdreg $0xC0  }
0xab: {  	_ =	task [dreg:s6], $0x5FFFF  }
0xac: {  	[dreg:$0x1] =	wrdreg $0xFFFFFFFF  }
0xad: {  	[dreg:$0x0] =	wrdreg $0x60  }
0xae: {  	[dreg:$0x2] =	wrdreg s24  }
0xaf: {  	[dreg:$0x3] =	wrdreg $0x9  }
0xb0: {  	_ =	task.clear_ibuf [dreg:s6], $0x4FFFF;
	_ =	strace $0x90000049  }
0xb1: {  	s29 =	simm.s32 $0x9;
	_ =	strace $0x8000004B  }
0xb2: {  	_ =	swait.ge [sflag:s29], $0x1  }
0xb3: {  	[sflag:s29] =	ssyncadd.s32 $0xFFFFFFFF  }
0xb4: {  	_ =	strace $0x9000004B  }
0xb5: {  	_ =	sfence  }
0xb6: {  	s30 =	sld [smem:$0x0];
	_ =	sdelay $0x2  }
0xb7: {  	s31 =	sshll.u32 s1, $0xD;
	s1 =	sshrl.u32 s1, $0x2  }
0xb8: {  	s3 =	sand.u32 $0x4000, s31;
	s1 =	sadd.s32 s1, s30  }
0xb9: {  	s0 =	sor.u32 s3, s0;
	s1 =	sshll.u32 s1, $0x11  }
0xba: {  	s0 =	sor.u32 s1, s0  }
0xbb: {  	s0 =	sadd.s32 $0x8F2B, s0  }
0xbc: {  	[sflag:s0] =	ssyncadd.remote.s32 $0x1  }
0xbd: {  	_ =	sfence.sel $0xFFFF  }
0xbe: {  	[dreg:$0x0] =	wrdreg $0xFFFFFFFF;
	(pc) =	sbr.abs _section_cstart, $3  }
0xbf: {  	[dreg:$0x1] =	wrdreg $0xFFFFFFFF  }
0xc0: {  	_ =	task.clear_ibuf [dreg:s6], $0x2FFFF;
	_ =	strace $0x9FFFFFFF  }
0xc1: {  	(tm) =	ssettm $0x7FFFFFFF  }
tec
execute0_lowered:
.L_overlay_start_1:
0x0: {  	(tag) =	ssettag $0x1  }
0x1: {  	s1 =	srdreg.scid  }
0x2: {  	s0 =	stileid.u32;
	s9 =	rddreg [dreg:$0x0];
	s2 =	simm.s32 $0x0  }
0x3: {  	s16 =	simm.s32 $0x2800;
	s17 =	simm.s32 $0x5F00;
	s18 =	simm.s32 $0x7F00  }
0x4: {  	s19 =	simm.s32 $0x5300;
	s20 =	simm.s32 $0x5700;
	s21 =	simm.s32 $0x5B00  }
0x5: {  	s22 =	simm.s32 $0x0;
	s8 =	sand.u32 $0x1, s1;
	s1 =	rddreg [dreg:$0x1]  }
0x6: {  	s30 =	sshll.u32 s0, $0x1;
	[smem:$0x7FF] =	sst s2;
	s4 =	sadd.s32 $0x2800, s9  }
0x7: {  	s6 =	sadd.s32 $0x34200, s9;
	s7 =	sadd.s32 $0x2A200, s9;
	s11 =	sor.u32 s8, s30  }
0x8: {  	_ =	strace $0x8000004A;
	s13 =	ssub.s32 $0x2, s8;
	s8 =	sadd.s32 $0x8E200, s9  }
0x9: {  	s3 =	smul.u32 $0x140, s11;
	s12 =	sshll.u32 s11, $0xA;
	s31 =	sshrl.u32 s13, $0x1  }
0xa: {  	s11 =	smul.u32 $0x2800, s11;
	s14 =	sadd.s32 s12, s9;
	s15 =	ssub.s32 s13, s31  }
0xb: {  	s5 =	sshrl.u32 s3, $0x3;
	s12 =	sadd.s32 $0x3400, s14;
	s13 =	sadd.s32 $0xB400, s14  }
0xc: {  	s14 =	smax.u32 s15, $0x1;
	s15 =	simm.s32 $0x1;
	s10 =	sadd.s32 s5, s9  }
0xd: {  	v0 =	vimm.f32 $0.0e+00;
	v1 =	vlaneseq.u32;
	s5 =	sadd.s32 $0x98200, s9;
	s9 =	sadd.s32 $0x2200, s10;
	s10 =	sadd.s32 $0x2E00, s10  }
.LBB2_1:
0xe: {  	[tilespmem:s2], [sflag:$0x1] =	stream.linear.gather [hbm4b:s4+s2], $0x2800, $0x38;
	[tilespmem:$0x9F80] =	vst v63  }
0xf: {  	_ =	swait.ge [sflag:s15], $0x2800  }
0x10: {  	[sflag:s15] =	ssyncset.done $0x0  }
0x11: {  	[sflag:s15] =	ssyncadd.s32 $0xFFFFD800  }
0x12: {  	[tilespmem:s16], [sflag:$0x1] =	stream.linear.gather [hbm4b:s5+s2], $0x2800, $0x38;
	[tilespmem:$0x9F80] =	vst v63  }
0x13: {  	_ =	swait.ge [sflag:s15], $0x2800  }
0x14: {  	[sflag:s15] =	ssyncset.done $0x0  }
0x15: {  	s23 =	simm.s32 $0x5000;
	[sflag:s15] =	ssyncadd.s32 $0xFFFFD800  }
0x16: {  	[tilespmem:s23], [sflag:$0x1] =	stream.linear.gather [hbm4b:s9+s2], $0x140, $0x38;
	[tilespmem:$0x9F80] =	vst v63  }
0x17: {  	_ =	swait.ge [sflag:s15], $0x140  }
0x18: {  	[sflag:s15] =	ssyncset.done $0x0  }
0x19: {  	s24 =	simm.s32 $0x5180;
	[sflag:s15] =	ssyncadd.s32 $0xFFFFFEC0  }
0x1a: {  	[tilespmem:s24], [sflag:$0x1] =	stream.linear.gather [hbm4b:s10+s2], $0x140, $0x38;
	[tilespmem:$0x9F80] =	vst v63  }
0x1b: {  	_ =	swait.ge [sflag:s15], $0x140  }
0x1c: {  	[sflag:s15] =	ssyncset.done $0x0  }
0x1d: {  	[sflag:s15] =	ssyncadd.s32 $0xFFFFFEC0  }
0x1e: {  	[tilespmem:$0x5F00] =	vst v0  }
0x1f: {  	[tilespmem:$0x7F00] =	vst v0  }
0x20: {  	[tilespmem:$0x5F80] =	vst v0  }
0x21: {  	[tilespmem:$0x7F80] =	vst v0  }
0x22: {  	[tilespmem:$0x6000] =	vst v0  }
0x23: {  	[tilespmem:$0x8000] =	vst v0  }
0x24: {  	[tilespmem:$0x6080] =	vst v0  }
0x25: {  	[tilespmem:$0x8080] =	vst v0  }
0x26: {  	[tilespmem:$0x6100] =	vst v0  }
0x27: {  	[tilespmem:$0x8100] =	vst v0  }
0x28: {  	[tilespmem:$0x6180] =	vst v0  }
0x29: {  	[tilespmem:$0x8180] =	vst v0  }
0x2a: {  	[tilespmem:$0x6200] =	vst v0  }
0x2b: {  	[tilespmem:$0x8200] =	vst v0  }
0x2c: {  	[tilespmem:$0x6280] =	vst v0  }
0x2d: {  	[tilespmem:$0x8280] =	vst v0  }
0x2e: {  	[tilespmem:$0x6300] =	vst v0  }
0x2f: {  	[tilespmem:$0x8300] =	vst v0  }
0x30: {  	[tilespmem:$0x6380] =	vst v0  }
0x31: {  	[tilespmem:$0x8380] =	vst v0  }
0x32: {  	[tilespmem:$0x6400] =	vst v0  }
0x33: {  	[tilespmem:$0x8400] =	vst v0  }
0x34: {  	[tilespmem:$0x6480] =	vst v0  }
0x35: {  	[tilespmem:$0x8480] =	vst v0  }
0x36: {  	[tilespmem:$0x6500] =	vst v0  }
0x37: {  	[tilespmem:$0x8500] =	vst v0  }
0x38: {  	[tilespmem:$0x6580] =	vst v0  }
0x39: {  	[tilespmem:$0x8580] =	vst v0  }
0x3a: {  	[tilespmem:$0x6600] =	vst v0  }
0x3b: {  	[tilespmem:$0x8600] =	vst v0  }
0x3c: {  	[tilespmem:$0x6680] =	vst v0  }
0x3d: {  	[tilespmem:$0x8680] =	vst v0  }
0x3e: {  	[tilespmem:$0x6700] =	vst v0  }
0x3f: {  	[tilespmem:$0x8700] =	vst v0  }
0x40: {  	[tilespmem:$0x6780] =	vst v0  }
0x41: {  	[tilespmem:$0x8780] =	vst v0  }
0x42: {  	[tilespmem:$0x6800] =	vst v0  }
0x43: {  	[tilespmem:$0x8800] =	vst v0  }
0x44: {  	[tilespmem:$0x6880] =	vst v0  }
0x45: {  	[tilespmem:$0x8880] =	vst v0  }
0x46: {  	[tilespmem:$0x6900] =	vst v0  }
0x47: {  	[tilespmem:$0x8900] =	vst v0  }
0x48: {  	[tilespmem:$0x6980] =	vst v0  }
0x49: {  	[tilespmem:$0x8980] =	vst v0  }
0x4a: {  	[tilespmem:$0x6A00] =	vst v0  }
0x4b: {  	[tilespmem:$0x8A00] =	vst v0  }
0x4c: {  	[tilespmem:$0x6A80] =	vst v0  }
0x4d: {  	[tilespmem:$0x8A80] =	vst v0  }
0x4e: {  	[tilespmem:$0x6B00] =	vst v0  }
0x4f: {  	[tilespmem:$0x8B00] =	vst v0  }
0x50: {  	[tilespmem:$0x6B80] =	vst v0  }
0x51: {  	[tilespmem:$0x8B80] =	vst v0  }
0x52: {  	[tilespmem:$0x6C00] =	vst v0  }
0x53: {  	[tilespmem:$0x8C00] =	vst v0  }
0x54: {  	[tilespmem:$0x6C80] =	vst v0  }
0x55: {  	[tilespmem:$0x8C80] =	vst v0  }
0x56: {  	[tilespmem:$0x6D00] =	vst v0  }
0x57: {  	[tilespmem:$0x8D00] =	vst v0  }
0x58: {  	[tilespmem:$0x6D80] =	vst v0  }
0x59: {  	[tilespmem:$0x8D80] =	vst v0  }
0x5a: {  	[tilespmem:$0x6E00] =	vst v0  }
0x5b: {  	[tilespmem:$0x8E00] =	vst v0  }
0x5c: {  	[tilespmem:$0x6E80] =	vst v0  }
0x5d: {  	[tilespmem:$0x8E80] =	vst v0  }
0x5e: {  	[tilespmem:$0x6F00] =	vst v0  }
0x5f: {  	[tilespmem:$0x8F00] =	vst v0  }
0x60: {  	[tilespmem:$0x6F80] =	vst v0  }
0x61: {  	[tilespmem:$0x8F80] =	vst v0  }
0x62: {  	[tilespmem:$0x7000] =	vst v0  }
0x63: {  	[tilespmem:$0x9000] =	vst v0  }
0x64: {  	[tilespmem:$0x7080] =	vst v0  }
0x65: {  	[tilespmem:$0x9080] =	vst v0  }
0x66: {  	[tilespmem:$0x7100] =	vst v0  }
0x67: {  	[tilespmem:$0x9100] =	vst v0  }
0x68: {  	[tilespmem:$0x7180] =	vst v0  }
0x69: {  	[tilespmem:$0x9180] =	vst v0  }
0x6a: {  	[tilespmem:$0x7200] =	vst v0  }
0x6b: {  	[tilespmem:$0x9200] =	vst v0  }
0x6c: {  	[tilespmem:$0x7280] =	vst v0  }
0x6d: {  	[tilespmem:$0x9280] =	vst v0  }
0x6e: {  	[tilespmem:$0x7300] =	vst v0  }
0x6f: {  	[tilespmem:$0x9300] =	vst v0  }
0x70: {  	[tilespmem:$0x7380] =	vst v0  }
0x71: {  	[tilespmem:$0x9380] =	vst v0  }
0x72: {  	[tilespmem:$0x7400] =	vst v0  }
0x73: {  	[tilespmem:$0x9400] =	vst v0  }
0x74: {  	[tilespmem:$0x7480] =	vst v0  }
0x75: {  	[tilespmem:$0x9480] =	vst v0  }
0x76: {  	[tilespmem:$0x7500] =	vst v0  }
0x77: {  	[tilespmem:$0x9500] =	vst v0  }
0x78: {  	[tilespmem:$0x7580] =	vst v0  }
0x79: {  	[tilespmem:$0x9580] =	vst v0  }
0x7a: {  	[tilespmem:$0x7600] =	vst v0  }
0x7b: {  	[tilespmem:$0x9600] =	vst v0  }
0x7c: {  	[tilespmem:$0x7680] =	vst v0  }
0x7d: {  	[tilespmem:$0x9680] =	vst v0  }
0x7e: {  	[tilespmem:$0x7700] =	vst v0  }
0x7f: {  	[tilespmem:$0x9700] =	vst v0  }
0x80: {  	[tilespmem:$0x7780] =	vst v0  }
0x81: {  	[tilespmem:$0x9780] =	vst v0  }
0x82: {  	[tilespmem:$0x7800] =	vst v0  }
0x83: {  	[tilespmem:$0x9800] =	vst v0  }
0x84: {  	[tilespmem:$0x7880] =	vst v0  }
0x85: {  	[tilespmem:$0x9880] =	vst v0  }
0x86: {  	[tilespmem:$0x7900] =	vst v0  }
0x87: {  	[tilespmem:$0x9900] =	vst v0  }
0x88: {  	[tilespmem:$0x7980] =	vst v0  }
0x89: {  	[tilespmem:$0x9980] =	vst v0  }
0x8a: {  	[tilespmem:$0x7A00] =	vst v0  }
0x8b: {  	[tilespmem:$0x9A00] =	vst v0  }
0x8c: {  	[tilespmem:$0x7A80] =	vst v0  }
0x8d: {  	[tilespmem:$0x9A80] =	vst v0  }
0x8e: {  	[tilespmem:$0x7B00] =	vst v0  }
0x8f: {  	[tilespmem:$0x9B00] =	vst v0  }
0x90: {  	[tilespmem:$0x7B80] =	vst v0  }
0x91: {  	[tilespmem:$0x9B80] =	vst v0  }
0x92: {  	[tilespmem:$0x7C00] =	vst v0  }
0x93: {  	[tilespmem:$0x9C00] =	vst v0  }
0x94: {  	[tilespmem:$0x7C80] =	vst v0  }
0x95: {  	[tilespmem:$0x9C80] =	vst v0  }
0x96: {  	[tilespmem:$0x7D00] =	vst v0  }
0x97: {  	[tilespmem:$0x9D00] =	vst v0  }
0x98: {  	[tilespmem:$0x7D80] =	vst v0  }
0x99: {  	[tilespmem:$0x9D80] =	vst v0  }
0x9a: {  	[tilespmem:$0x7E00] =	vst v0  }
0x9b: {  	[tilespmem:$0x9E00] =	vst v0  }
0x9c: {  	[tilespmem:$0x7E80] =	vst v0  }
0x9d: {  	[tilespmem:$0x9E80] =	vst v0  }
0x9e: {  	s25 =	simm.s32 $0x0;
	[tilespmem:$0x9F00] =	vst v1  }
.LBB2_2:
0x9f: {  	s26 =	sadd.s32 s3, s25  }
0xa0: {  	v2 =	vor.u32 s26, v1;
	_ =	sdelay $0x4  }
0xa1: {  	v2 =	vld.idx.msk [tilespmem:v2+s16+$0x0], $0xffff;
	_ =	sdelay $0x2  }
0xa2: {  	v3 =	vld [tilespmem:s23+$0x0]  }
0xa3: {  	v4 =	vld [tilespmem:s24+$0x0]  }
0xa4: {  	v2 =	vshll.u32 v2, $0x7  }
0xa5: {  	v2 =	vor.u32 v1, v2;
	_ =	sdelay $0x2  }
0xa6: {  	v3 =	vmul.f32 v4, v3;
	_ =	sdelay $0x1  }
0xa7: {  	[tilespmem:v2+s17+$0x0] =	vst.idx.add.f32.msk $0xffff, v3  }
0xa8: {  	p0 =	sne.s32 s25, $0x130;
	v3 =	vld [tilespmem:s24+$0x0]  }
.Ltmp0:
0xa9: {  	_ = 	snop;
	(pc) =	sbr.rel @p0 .LBB2_2-.Ltmp0, $2  }
0xaa: {  	_ =	sdelay $0x2  }
0xab: {  	s23 =	sadd.s32 $0x10, s23;
	s25 =	sadd.s32 $0x10, s25;
	s24 =	sadd.s32 $0x10, s24;
	[tilespmem:v2+s18+$0x0] =	vst.idx.add.f32.msk $0xffff, v3  }
0xac: {  	s23 =	simm.s32 $0x0  }
.LBB2_4:
0xad: {  	s24 =	sshll.u32 s23, $0xA  }
0xae: {  	s24 =	sadd.s32 s11, s24  }
0xaf: {  	s24 =	sshrl.u32 s24, $0x3  }
0xb0: {  	s25 =	sadd.s32 s6, s24  }
0xb1: {  	[tilespmem:s19], [sflag:$0x1] =	stream.linear.gather [hbm4b:s25+s2], $0x400, $0x38;
	[tilespmem:$0x9F80] =	vst v63  }
0xb2: {  	_ =	swait.ge [sflag:s15], $0x400  }
0xb3: {  	[sflag:s15] =	ssyncset.done $0x0  }
0xb4: {  	s31 =	sadd.s32 s7, s24;
	[sflag:s15] =	ssyncadd.s32 $0xFFFFFC00  }
0xb5: {  	[tilespmem:s20], [sflag:$0x1] =	stream.linear.gather [hbm4b:s31+s2], $0x400, $0x38;
	[tilespmem:$0x9F80] =	vst v63  }
0xb6: {  	_ =	swait.ge [sflag:s15], $0x400  }
0xb7: {  	[sflag:s15] =	ssyncset.done $0x0  }
0xb8: {  	s24 =	sadd.s32 s8, s24;
	[sflag:s15] =	ssyncadd.s32 $0xFFFFFC00  }
0xb9: {  	[tilespmem:s21], [sflag:$0x1] =	stream.linear.gather [hbm4b:s24+s2], $0x400, $0x38;
	[tilespmem:$0x9F80] =	vst v63  }
0xba: {  	_ =	swait.ge [sflag:s15], $0x400  }
0xbb: {  	s26 =	simm.s32 $0x5710;
	s28 =	simm.s32 $0x5310;
	[sflag:s15] =	ssyncset.done $0x0  }
0xbc: {  	s25 =	simm.s32 $0x5B10;
	s24 =	simm.s32 $0xFFFFFFFE;
	[sflag:s15] =	ssyncadd.s32 $0xFFFFFC00  }
.LBB2_5:
0xbd: {  	v2 =	vld [tilespmem:s26+$0xFFFFFFF0];
	_ =	sdelay $0x3  }
0xbe: {  	v3 =	vld [tilespmem:s28+$0xFFFFFFF0];
	_ =	sdelay $0x3  }
0xbf: {  	v2 =	vld.idx.msk [tilespmem:v2+s16+$0x0], $0xffff;
	_ =	sdelay $0x2  }
0xc0: {  	v4 =	vld [tilespmem:s25+$0xFFFFFFF0]  }
0xc1: {  	v3 =	vld.idx.msk [tilespmem:v3+s2+$0x0], $0xffff  }
0xc2: {  	v2 =	vshll.u32 v2, $0x7  }
0xc3: {  	v2 =	vor.u32 v1, v2;
	_ =	sdelay $0x2  }
0xc4: {  	v3 =	vmul.f32 v4, v3;
	_ =	sdelay $0x1  }
0xc5: {  	[tilespmem:v2+s17+$0x0] =	vst.idx.add.f32.msk $0xffff, v3  }
0xc6: {  	v2 =	vld [tilespmem:s26+$0x0];
	_ =	sdelay $0x3  }
0xc7: {  	v3 =	vld [tilespmem:s28+$0x0];
	_ =	sdelay $0x3  }
0xc8: {  	v2 =	vld.idx.msk [tilespmem:v2+s16+$0x0], $0xffff;
	_ =	sdelay $0x2  }
0xc9: {  	v63 =	vld [tilespmem:s25+$0x0]  }
0xca: {  	v3 =	vld.idx.msk [tilespmem:v3+s2+$0x0], $0xffff  }
0xcb: {  	s24 =	sadd.s32 $0x2, s24;
	v2 =	vshll.u32 v2, $0x7  }
0xcc: {  	p0 =	slt.u32 s24, $0x3E;
	v2 =	vor.u32 v1, v2  }
.Ltmp1:
0xcd: {  	_ = 	snop;
	(pc) =	sbr.rel @p0 .LBB2_5-.Ltmp1, $3  }
0xce: {  	_ = 	snop  }
0xcf: {  	v3 =	vmul.f32 v63, v3;
	_ =	sdelay $0x1  }
0xd0: {  	s25 =	sadd.s32 $0x20, s25;
	s26 =	sadd.s32 $0x20, s26;
	s28 =	sadd.s32 $0x20, s28;
	[tilespmem:v2+s17+$0x0] =	vst.idx.add.f32.msk $0xffff, v3  }
0xd1: {  	s23 =	sadd.s32 $0x1, s23  }
0xd2: {  	p0 =	sne.s32 s23, $0xA  }
.Ltmp2:
0xd3: {  	_ = 	snop;
	(pc) =	sbr.rel @p0 .LBB2_4-.Ltmp2, $1  }
0xd4: {  	_ =	sdelay $0x3  }
0xd5: {  	[hbm4b:s12+s2] =	stream.linear.scatter [tilespmem:s17], [sflag:$0x1], $0x2000, $0x38;
	[tilespmem:$0x9F80] =	vst v63  }
0xd6: {  	s22 =	sadd.s32 $0x1, s22;
	_ =	swait.ge [sflag:s15], $0x2000  }
0xd7: {  	p0 =	sne.s32 s22, s14;
	[sflag:s15] =	ssyncset.done $0x0  }
.Ltmp3:
0xd8: {  	[sflag:s15] =	ssyncadd.s32 $0xFFFFE000;
	(pc) =	sbr.rel @p0 .LBB2_1-.Ltmp3, $4  }
0xd9: {  	[hbm4b:s13+s2] =	stream.linear.scatter [tilespmem:s18], [sflag:$0x1], $0x2000, $0x38;
	[tilespmem:$0x9F80] =	vst v63  }
0xda: {  	_ =	swait.ge [sflag:s15], $0x2000  }
0xdb: {  	[sflag:s15] =	ssyncset.done $0x0  }
0xdc: {  	[sflag:s15] =	ssyncadd.s32 $0xFFFFE000  }
0xdd: {  	_ =	sfence.sel $0x180000  }
0xde: {  	[bflag:$0x0] =	sbarrier.arrive $0xFFFF  }
0xdf: {  	p0 =	sne.s32 s0, $0x0;
	_ =	strace $0x9000004A  }
0xe0: {  	s0 =	sadd.s32 @!p0 $0x100000, s1;
	[bflag:$0x2] =	sbarrier.arrive $0xFFFF  }
0xe1: {  	[sflag:s0] =	ssyncadd.tile.s32 @!p0 $0x1;
	_ =	shalt  }
.Lfunc_end2:
_tile_overlayer_lowered:
.L_overlay_start_2:
0xe2: {  	(tag) =	ssettag $0x2  }
0xe3: {  	s0 =	rddreg [dreg:$0x0];
	s2 =	stileid.u32  }
0xe4: {  	s1 =	rddreg [dreg:$0x1];
	p0 =	sne.s32 s2, $0x0  }
0xe5: {  	s3 =	rddreg [dreg:$0x2];
	[bflag:$0x3] =	sbarrier.arrive $0xFFFF;
	s2 =	simm.s32 @!p0 $0x1C01  }
0xe6: {  	[timem:s3], [sflag:s2] =	dma.local @!p0 [hbm:s0], s1  }
0xe7: {  	s0 =	simm.s32 @!p0 $0x1  }
0xe8: {  	_ =	swait.ge @!p0 [sflag:s0], s1  }
0xe9: {  	s1 =	ssub.s32 @!p0 $0x0, s1;
	[sflag:s0] =	ssyncset.done @!p0 $0x0  }
0xea: {  	[sflag:s0] =	ssyncadd.s32 @!p0 s1  }
0xeb: {  	[bflag:$0x3] =	sbarrier.arrive $0xFFFF  }
0xec: {  	_ =	shalt  }

</sc_bundles>
